<compile_context>
chip_gen: v7x
topology: tpu7x:2x2x1
jax: 0.10.2.dev20260603
libtpu: 0.0.44.dev20260713+nightly
codegen_flags: <defaults>
</compile_context>

<pallas_src>
import functools

import jax
import jax.numpy as jnp
from jax import lax
from jax.experimental import pallas as pl
from jax.experimental.pallas import tpu as pltpu
from jax.experimental.pallas import tpu_sc as plsc

B, L, D = 16, 4096, 768
LANES = 16
NCOL = D // LANES
SB = 2
WPB = 32 // SB
SEG = L // WPB
CHUNK = 32
NBUF = 4
NCH = SEG // CHUNK
assert NCH % NBUF == 0

_mesh = plsc.VectorSubcoreMesh(core_axis_name="c", subcore_axis_name="s")


def _zero_acc(acc):
    def body(j, _):
        acc[pl.ds(j * LANES, LANES)] = jnp.zeros((LANES,), jnp.float32)
        return 0

    lax.fori_loop(0, NCOL, body, 0)


def _accumulate(buf, acc):
    def col_body(j, _):
        col = j * LANES
        z = jnp.zeros((LANES,), jnp.float32)

        def row_body(r, carry):
            s0, s1, s2, s3 = carry
            r4 = r * 4
            s0 = s0 + buf[r4, pl.ds(col, LANES)]
            s1 = s1 + buf[r4 + 1, pl.ds(col, LANES)]
            s2 = s2 + buf[r4 + 2, pl.ds(col, LANES)]
            s3 = s3 + buf[r4 + 3, pl.ds(col, LANES)]
            return (s0, s1, s2, s3)

        s0, s1, s2, s3 = lax.fori_loop(
            0, CHUNK // 4, row_body, (z, z, z, z), unroll=4
        )
        acc[pl.ds(col, LANES)] = acc[pl.ds(col, LANES)] + (
            (s0 + s1) + (s2 + s3)
        )
        return 0

    lax.fori_loop(0, NCOL, col_body, 0)


@functools.partial(
    pl.kernel,
    mesh=_mesh,
    out_type=jax.ShapeDtypeStruct((SB, 1, D), jnp.float32),
    scratch_types=[
        *([pltpu.VMEM((CHUNK, D), jnp.float32)] * NBUF),
        pltpu.VMEM((D,), jnp.float32),
        pltpu.VMEM((WPB, D), jnp.float32),
        pltpu.VMEM_SHARED((16, D), jnp.float32),
        *([pltpu.SemaphoreType.DMA] * NBUF),
    ],
)
def _sc_mean(x_hbm, out_hbm, *refs):
    bufs = refs[:NBUF]
    acc, gather, shared = refs[NBUF : NBUF + 3]
    sems = refs[NBUF + 3 :]
    c = lax.axis_index("c")
    s = lax.axis_index("s")
    b = c * (SB // 2) + s // WPB
    row0 = (s % WPB) * SEG

    _zero_acc(acc)

    for i in range(NBUF):
        pltpu.async_copy(
            x_hbm.at[b, pl.ds(row0 + i * CHUNK, CHUNK)], bufs[i], sems[i]
        )

    def outer(k, _):
        for i in range(NBUF):
            idx = NBUF * k + i
            base = row0 + idx * CHUNK
            pltpu.make_async_copy(
                x_hbm.at[b, pl.ds(base, CHUNK)], bufs[i], sems[i]
            ).wait()
            _accumulate(bufs[i], acc)

            @pl.when(idx + NBUF < NCH)
            def _():
                pltpu.async_copy(
                    x_hbm.at[b, pl.ds(base + NBUF * CHUNK, CHUNK)],
                    bufs[i],
                    sems[i],
                )

        return 0

    lax.fori_loop(0, NCH // NBUF, outer, 0)

    pltpu.sync_copy(acc, shared.at[s])
    plsc.subcore_barrier()

    @pl.when(s % WPB == 0)
    def _():
        s_al = pl.multiple_of(s, WPB)
        pltpu.sync_copy(shared.at[pl.ds(s_al, WPB)], gather)

        def fin(j, _):
            col = j * LANES
            m = gather[0, pl.ds(col, LANES)]
            for w in range(1, WPB):
                m = m + gather[w, pl.ds(col, LANES)]
            acc[pl.ds(col, LANES)] = m * (1.0 / L)
            return 0

        lax.fori_loop(0, NCOL, fin, 0)
        pltpu.sync_copy(acc, out_hbm.at[b, 0])


def _tc_body(x_ref, o_ref):
    o_ref[...] = jnp.sum(x_ref[...], axis=1, keepdims=True) * (1.0 / L)


def _tc_mean(x):
    return pl.pallas_call(
        _tc_body,
        grid=(B - SB,),
        in_specs=[
            pl.BlockSpec((1, L, D), lambda b: (b + SB, 0, 0)),
        ],
        out_specs=pl.BlockSpec((1, 1, D), lambda b: (b, 0, 0)),
        out_shape=jax.ShapeDtypeStruct((B - SB, 1, D), jnp.float32),
        compiler_params=pltpu.CompilerParams(
            dimension_semantics=("arbitrary",),
        ),
    )(x)


def kernel(x):
    return jnp.concatenate([_sc_mean(x), _tc_mean(x)], axis=0)

# --- scband reference (transcript-rebuilt; emitter-appended) ---
"""Pipeline reference for scband-sentence-gather-4612794876722 (READ-ONLY COPY).

The authoritative reference and input builder live on the scoring server;
editing this copy changes nothing except your own understanding.
"""

import jax, jax.numpy as jnp
import numpy as np


def setup_inputs(seed: int = 0) -> dict:
    key = jax.random.key(seed)
    x = jax.random.normal(key, (16, 4096, 768), dtype=jnp.float32)
    return {"x": x}


def reference(x):
    # SentenceGather.forward with batch=None and pool='avg'.
    # roi_mask = ones((B, L)) -> max(roi_mask) == 1, so the inner loop runs once
    # per text with i=0, gathering every position where mask == 1 (all positions)
    # and mean-pooling over the token axis, producing a [1, D] row per text.
    B, L, D = x.shape
    roi_mask = jnp.ones((B, L), dtype=jnp.int32)
    roi_words = []
    for b in range(B):
        roi_mask_per_text = roi_mask[b]
        text = x[b]
        roi_words_per_text = []
        # torch.max(roi_mask_per_text).item() == 1 since mask is all ones
        for i in range(1):
            # torch.where(roi_mask_per_text == i + 1)[0] selects all L positions;
            # mask is a compile-time constant of ones so the gather is the identity
            idx = jnp.arange(L)
            aggregate_word = jnp.take(text, idx, axis=0)  # (L, D)
            pooled_sentence = jnp.mean(aggregate_word, axis=0, keepdims=True)  # (1, D)
            roi_words_per_text.append(pooled_sentence)
        roi_words_per_text = jnp.concatenate(roi_words_per_text, axis=0)  # (1, D)
        roi_words.append(roi_words_per_text)
    # original returns a python list of per-text tensors; all have shape (1, D)
    # so we stack into a single array [B, 1, D]
    return jnp.stack(roi_words, axis=0)

if __name__ == "__main__":
    import jax
    _d = setup_inputs()
    print(jax.jit(kernel)(*tuple(_d.values())))

</pallas_src>

<mosaic_0001>
#map = affine_map<(d0, d1) -> (0, 0, 0)>
module attributes {stable_mosaic.version = 14 : i64} {
  func.func @_sc_mean(%arg0: i32, %arg1: i32, %arg2: memref<16x4096x768xf32, #tpu.memory_space<hbm>>, %arg3: memref<2x1x768xf32, #tpu.memory_space<hbm>>, %arg4: memref<32x768xf32, #tpu.memory_space<vmem>>, %arg5: memref<32x768xf32, #tpu.memory_space<vmem>>, %arg6: memref<32x768xf32, #tpu.memory_space<vmem>>, %arg7: memref<32x768xf32, #tpu.memory_space<vmem>>, %arg8: memref<768xf32, #tpu.memory_space<vmem>>, %arg9: memref<16x768xf32, #tpu.memory_space<vmem>>, %arg10: memref<16x768xf32, #tpu.memory_space<vmem_shared>>, %arg11: memref<!tpu.dma_semaphore, #tpu.memory_space<semaphore_mem>>, %arg12: memref<!tpu.dma_semaphore, #tpu.memory_space<semaphore_mem>>, %arg13: memref<!tpu.dma_semaphore, #tpu.memory_space<semaphore_mem>>, %arg14: memref<!tpu.dma_semaphore, #tpu.memory_space<semaphore_mem>>) attributes {dimension_semantics = [#tpu.dimension_semantics<core_parallel>, #tpu.dimension_semantics<subcore_parallel>], iteration_bounds = array<i64: 2, 16>, scalar_prefetch = 0 : i64, scratch_operands = 11 : i64, tpu.core_type = #tpu.core_type<sc_vector_subcore>, window_params = [{transform_indices = #map}, {transform_indices = #map}]} {
    %mul3A = arith.constant 1 : i32
    %mul3A_0 = arith.muli %arg0, %mul3A : i32
    %jit3A = arith.constant 16 : i32
    %div3A = arith.divsi %arg1, %jit3A : i32
    %sign3A = arith.constant 0 : i32
    %sign3A_1 = arith.cmpi sgt, %arg1, %sign3A : i32
    %sign3A_2 = arith.extui %sign3A_1 : i1 to i32
    %sign3A_3 = arith.constant 0 : i32
    %sign3A_4 = arith.cmpi slt, %arg1, %sign3A_3 : i32
    %sign3A_5 = arith.extui %sign3A_4 : i1 to i32
    %sign3A_6 = arith.subi %sign3A_2, %sign3A_5 : i32
    %sign3A_7 = arith.constant 0 : i32
    %sign3A_8 = arith.cmpi sgt, %jit3A, %sign3A_7 : i32
    %sign3A_9 = arith.extui %sign3A_8 : i1 to i32
    %sign3A_10 = arith.constant 0 : i32
    %sign3A_11 = arith.cmpi slt, %jit3A, %sign3A_10 : i32
    %sign3A_12 = arith.extui %sign3A_11 : i1 to i32
    %sign3A_13 = arith.subi %sign3A_9, %sign3A_12 : i32
    %ne3A = arith.cmpi ne, %sign3A_6, %sign3A_13 : i32
    %rem3A = arith.remsi %arg1, %jit3A : i32
    %ne3A_14 = arith.constant 0 : i32
    %ne3A_15 = arith.cmpi ne, %rem3A, %ne3A_14 : i32
    %and3A = arith.andi %ne3A, %ne3A_15 : i1
    %sub3A = arith.constant 1 : i32
    %sub3A_16 = arith.subi %div3A, %sub3A : i32
    %select_n3A = arith.select %and3A, %sub3A_16, %div3A : i32
    %add3A = arith.addi %mul3A_0, %select_n3A : i32
    %jit3A_17 = arith.constant 16 : i32
    %eq3A = arith.constant 0 : i32
    %eq3A_18 = arith.cmpi eq, %jit3A_17, %eq3A : i32
    %jit3A_19 = arith.constant 1 : i32
    %select_n3A_20 = arith.select %eq3A_18, %jit3A_19, %jit3A_17 : i32
    %rem3A_21 = arith.remsi %arg1, %select_n3A_20 : i32
    %ne3A_22 = arith.constant 0 : i32
    %ne3A_23 = arith.cmpi ne, %rem3A_21, %ne3A_22 : i32
    %lt3A = arith.constant 0 : i32
    %lt3A_24 = arith.cmpi slt, %rem3A_21, %lt3A : i32
    %lt3A_25 = arith.constant 0 : i32
    %lt3A_26 = arith.cmpi slt, %select_n3A_20, %lt3A_25 : i32
    %ne3A_27 = arith.xori %lt3A_24, %lt3A_26 : i1
    %and3A_28 = arith.andi %ne3A_27, %ne3A_23 : i1
    %add3A_29 = arith.addi %rem3A_21, %select_n3A_20 : i32
    %select_n3A_30 = arith.select %and3A_28, %add3A_29, %rem3A_21 : i32
    %mul3A_31 = arith.constant 256 : i32
    %mul3A_32 = arith.muli %select_n3A_30, %mul3A_31 : i32
    %scan3A = arith.constant 0 : i32
    %scan3A_33 = arith.constant 0 : i32
    %scan3A_34 = arith.constant 48 : i32
    %scan3A_35 = arith.addi %scan3A_33, %scan3A_34 : i32
    %scan3A_36 = arith.constant 1 : i32
    %scan3A_37 = scf.for %scan3A_96 = %scan3A_33 to %scan3A_35 step %scan3A_36 iter_args(%scan3A_97 = %scan3A) -> (i32)  : i32 {
      %broadcast_in_dim3A = arith.constant 0.000000e+00 : f32
      %broadcast_in_dim3A_98 = vector.broadcast %broadcast_in_dim3A : f32 to vector<16xf32>
      %mul3A_99 = arith.constant 16 : i32
      %mul3A_100 = arith.muli %scan3A_96, %mul3A_99 : i32
      %swap3A = arith.index_cast %mul3A_100 : i32 to index
      %swap3A_101 = tpu.vector_load %arg8[%swap3A] {strides = array<i32>} : memref<768xf32, #tpu.memory_space<vmem>>, vector<16xf32>,
      %swap3A_102 = vector.shape_cast %swap3A_101 : vector<16xf32> to vector<16xf32>
      %swap3A_103 = vector.shape_cast %broadcast_in_dim3A_98 : vector<16xf32> to vector<16xf32>
      tpu.vector_store %arg8[%swap3A], %swap3A_103 {strides = array<i32>} : memref<768xf32, #tpu.memory_space<vmem>>, vector<16xf32>,
      %scan3A_104 = arith.constant 0 : i32
      scf.yield %scan3A_104 : i32
    }
    %scan3A_38 = arith.constant 48 : i32
    %add3A_39 = arith.constant 0 : i32
    %add3A_40 = arith.addi %mul3A_32, %add3A_39 : i32
    %dma_start3A = arith.constant 0 : i32
    %dma_start3A_41 = tpu.memref_slice %arg2[%add3A, %add3A_40, %dma_start3A] : memref<16x4096x768xf32, #tpu.memory_space<hbm>> -> memref<1x32x768xf32, #tpu.memory_space<hbm>>
    %dma_start3A_42 = tpu.memref_squeeze %dma_start3A_41 : memref<1x32x768xf32, #tpu.memory_space<hbm>> -> memref<32x768xf32, #tpu.memory_space<hbm>>
    %dma_start3A_43 = arith.constant 0 : i32
    %dma_start3A_44 = tpu.memref_slice %arg2[%add3A, %add3A_40, %dma_start3A_43] : memref<16x4096x768xf32, #tpu.memory_space<hbm>> -> memref<1x32x768xf32, #tpu.memory_space<hbm>>
    %dma_start3A_45 = tpu.memref_squeeze %dma_start3A_44 : memref<1x32x768xf32, #tpu.memory_space<hbm>> -> memref<32x768xf32, #tpu.memory_space<hbm>>
    tpu.enqueue_dma source(%dma_start3A_45 : memref<32x768xf32, #tpu.memory_space<hbm>>) target(%arg4 : memref<32x768xf32, #tpu.memory_space<vmem>>) target_semaphore(%arg11 : memref<!tpu.dma_semaphore, #tpu.memory_space<semaphore_mem>>)
    %add3A_46 = arith.constant 32 : i32
    %add3A_47 = arith.addi %mul3A_32, %add3A_46 : i32
    %dma_start3A_48 = arith.constant 0 : i32
    %dma_start3A_49 = tpu.memref_slice %arg2[%add3A, %add3A_47, %dma_start3A_48] : memref<16x4096x768xf32, #tpu.memory_space<hbm>> -> memref<1x32x768xf32, #tpu.memory_space<hbm>>
    %dma_start3A_50 = tpu.memref_squeeze %dma_start3A_49 : memref<1x32x768xf32, #tpu.memory_space<hbm>> -> memref<32x768xf32, #tpu.memory_space<hbm>>
    %dma_start3A_51 = arith.constant 0 : i32
    %dma_start3A_52 = tpu.memref_slice %arg2[%add3A, %add3A_47, %dma_start3A_51] : memref<16x4096x768xf32, #tpu.memory_space<hbm>> -> memref<1x32x768xf32, #tpu.memory_space<hbm>>
    %dma_start3A_53 = tpu.memref_squeeze %dma_start3A_52 : memref<1x32x768xf32, #tpu.memory_space<hbm>> -> memref<32x768xf32, #tpu.memory_space<hbm>>
    tpu.enqueue_dma source(%dma_start3A_53 : memref<32x768xf32, #tpu.memory_space<hbm>>) target(%arg5 : memref<32x768xf32, #tpu.memory_space<vmem>>) target_semaphore(%arg12 : memref<!tpu.dma_semaphore, #tpu.memory_space<semaphore_mem>>)
    %add3A_54 = arith.constant 64 : i32
    %add3A_55 = arith.addi %mul3A_32, %add3A_54 : i32
    %dma_start3A_56 = arith.constant 0 : i32
    %dma_start3A_57 = tpu.memref_slice %arg2[%add3A, %add3A_55, %dma_start3A_56] : memref<16x4096x768xf32, #tpu.memory_space<hbm>> -> memref<1x32x768xf32, #tpu.memory_space<hbm>>
    %dma_start3A_58 = tpu.memref_squeeze %dma_start3A_57 : memref<1x32x768xf32, #tpu.memory_space<hbm>> -> memref<32x768xf32, #tpu.memory_space<hbm>>
    %dma_start3A_59 = arith.constant 0 : i32
    %dma_start3A_60 = tpu.memref_slice %arg2[%add3A, %add3A_55, %dma_start3A_59] : memref<16x4096x768xf32, #tpu.memory_space<hbm>> -> memref<1x32x768xf32, #tpu.memory_space<hbm>>
    %dma_start3A_61 = tpu.memref_squeeze %dma_start3A_60 : memref<1x32x768xf32, #tpu.memory_space<hbm>> -> memref<32x768xf32, #tpu.memory_space<hbm>>
    tpu.enqueue_dma source(%dma_start3A_61 : memref<32x768xf32, #tpu.memory_space<hbm>>) target(%arg6 : memref<32x768xf32, #tpu.memory_space<vmem>>) target_semaphore(%arg13 : memref<!tpu.dma_semaphore, #tpu.memory_space<semaphore_mem>>)
    %add3A_62 = arith.constant 96 : i32
    %add3A_63 = arith.addi %mul3A_32, %add3A_62 : i32
    %dma_start3A_64 = arith.constant 0 : i32
    %dma_start3A_65 = tpu.memref_slice %arg2[%add3A, %add3A_63, %dma_start3A_64] : memref<16x4096x768xf32, #tpu.memory_space<hbm>> -> memref<1x32x768xf32, #tpu.memory_space<hbm>>
    %dma_start3A_66 = tpu.memref_squeeze %dma_start3A_65 : memref<1x32x768xf32, #tpu.memory_space<hbm>> -> memref<32x768xf32, #tpu.memory_space<hbm>>
    %dma_start3A_67 = arith.constant 0 : i32
    %dma_start3A_68 = tpu.memref_slice %arg2[%add3A, %add3A_63, %dma_start3A_67] : memref<16x4096x768xf32, #tpu.memory_space<hbm>> -> memref<1x32x768xf32, #tpu.memory_space<hbm>>
    %dma_start3A_69 = tpu.memref_squeeze %dma_start3A_68 : memref<1x32x768xf32, #tpu.memory_space<hbm>> -> memref<32x768xf32, #tpu.memory_space<hbm>>
    tpu.enqueue_dma source(%dma_start3A_69 : memref<32x768xf32, #tpu.memory_space<hbm>>) target(%arg7 : memref<32x768xf32, #tpu.memory_space<vmem>>) target_semaphore(%arg14 : memref<!tpu.dma_semaphore, #tpu.memory_space<semaphore_mem>>)
    %scan3A_70 = arith.constant 0 : i32
    %scan3A_71 = arith.constant 0 : i32
    %scan3A_72 = arith.constant 2 : i32
    %scan3A_73 = arith.addi %scan3A_71, %scan3A_72 : i32
    %scan3A_74 = arith.constant 1 : i32
    %scan3A_75 = scf.for %scan3A_96 = %scan3A_71 to %scan3A_73 step %scan3A_74 iter_args(%scan3A_97 = %scan3A_70) -> (i32)  : i32 {
      %mul3A_98 = arith.constant 4 : i32
      %mul3A_99 = arith.muli %mul3A_98, %scan3A_96 : i32
      %add3A_100 = arith.constant 0 : i32
      %add3A_101 = arith.addi %mul3A_99, %add3A_100 : i32
      %mul3A_102 = arith.constant 32 : i32
      %mul3A_103 = arith.muli %add3A_101, %mul3A_102 : i32
      %add3A_104 = arith.addi %mul3A_32, %mul3A_103 : i32
      %dma_wait3A = arith.constant 0 : i32
      %dma_wait3A_105 = tpu.memref_slice %arg2[%add3A, %add3A_104, %dma_wait3A] : memref<16x4096x768xf32, #tpu.memory_space<hbm>> -> memref<1x32x768xf32, #tpu.memory_space<hbm>>
      %dma_wait3A_106 = tpu.memref_squeeze %dma_wait3A_105 : memref<1x32x768xf32, #tpu.memory_space<hbm>> -> memref<32x768xf32, #tpu.memory_space<hbm>>
      %dma_wait3A_107 = arith.constant 0 : i32
      %dma_wait3A_108 = tpu.memref_slice %arg2[%add3A, %add3A_104, %dma_wait3A_107] : memref<16x4096x768xf32, #tpu.memory_space<hbm>> -> memref<1x32x768xf32, #tpu.memory_space<hbm>>
      %dma_wait3A_109 = tpu.memref_squeeze %dma_wait3A_108 : memref<1x32x768xf32, #tpu.memory_space<hbm>> -> memref<32x768xf32, #tpu.memory_space<hbm>>
      tpu.wait_dma2 semaphore(%arg11 : memref<!tpu.dma_semaphore, #tpu.memory_space<semaphore_mem>>) src(%dma_wait3A_109 : memref<32x768xf32, #tpu.memory_space<hbm>>) dst(%arg4 : memref<32x768xf32, #tpu.memory_space<vmem>>)
      %scan3A_110 = arith.constant 0 : i32
      %scan3A_111 = arith.constant 0 : i32
      %scan3A_112 = arith.constant 48 : i32
      %scan3A_113 = arith.addi %scan3A_111, %scan3A_112 : i32
      %scan3A_114 = arith.constant 1 : i32
      %scan3A_115 = scf.for %scan3A_206 = %scan3A_111 to %scan3A_113 step %scan3A_114 iter_args(%scan3A_207 = %scan3A_110) -> (i32)  : i32 {
        %mul3A_208 = arith.constant 16 : i32
        %mul3A_209 = arith.muli %scan3A_206, %mul3A_208 : i32
        %broadcast_in_dim3A = arith.constant 0.000000e+00 : f32
        %broadcast_in_dim3A_210 = vector.broadcast %broadcast_in_dim3A : f32 to vector<16xf32>
        %scan3A_211 = arith.constant 0 : i32
        %scan3A_212 = arith.constant 8 : i32
        %scan3A_213 = arith.addi %scan3A_211, %scan3A_212 : i32
        %scan3A_214 = arith.constant 4 : i32
        %scan3A_215:4 = scf.for %scan3A_227 = %scan3A_211 to %scan3A_213 step %scan3A_214 iter_args(%scan3A_228 = %broadcast_in_dim3A_210, %scan3A_229 = %broadcast_in_dim3A_210, %scan3A_230 = %broadcast_in_dim3A_210, %scan3A_231 = %broadcast_in_dim3A_210) -> (vector<16xf32>, vector<16xf32>, vector<16xf32>, vector<16xf32>)  : i32 {
          %mul3A_232 = arith.constant 4 : i32
          %mul3A_233 = arith.muli %scan3A_227, %mul3A_232 : i32
          %get3A_234 = arith.index_cast %mul3A_233 : i32 to index
          %get3A_235 = arith.index_cast %mul3A_209 : i32 to index
          %get3A_236 = tpu.vector_load %arg4[%get3A_234, %get3A_235] {strides = array<i32>} : memref<32x768xf32, #tpu.memory_space<vmem>>, vector<1x16xf32>,
          %get3A_237 = vector.shape_cast %get3A_236 : vector<1x16xf32> to vector<16xf32>
          %add3A_238 = arith.addf %scan3A_228, %get3A_237 : vector<16xf32>
          %add3A_239 = arith.constant 1 : i32
          %add3A_240 = arith.addi %mul3A_233, %add3A_239 : i32
          %get3A_241 = arith.index_cast %add3A_240 : i32 to index
          %get3A_242 = arith.index_cast %mul3A_209 : i32 to index
          %get3A_243 = tpu.vector_load %arg4[%get3A_241, %get3A_242] {strides = array<i32>} : memref<32x768xf32, #tpu.memory_space<vmem>>, vector<1x16xf32>,
          %get3A_244 = vector.shape_cast %get3A_243 : vector<1x16xf32> to vector<16xf32>
          %add3A_245 = arith.addf %scan3A_229, %get3A_244 : vector<16xf32>
          %add3A_246 = arith.constant 2 : i32
          %add3A_247 = arith.addi %mul3A_233, %add3A_246 : i32
          %get3A_248 = arith.index_cast %add3A_247 : i32 to index
          %get3A_249 = arith.index_cast %mul3A_209 : i32 to index
          %get3A_250 = tpu.vector_load %arg4[%get3A_248, %get3A_249] {strides = array<i32>} : memref<32x768xf32, #tpu.memory_space<vmem>>, vector<1x16xf32>,
          %get3A_251 = vector.shape_cast %get3A_250 : vector<1x16xf32> to vector<16xf32>
          %add3A_252 = arith.addf %scan3A_230, %get3A_251 : vector<16xf32>
          %add3A_253 = arith.constant 3 : i32
          %add3A_254 = arith.addi %mul3A_233, %add3A_253 : i32
          %get3A_255 = arith.index_cast %add3A_254 : i32 to index
          %get3A_256 = arith.index_cast %mul3A_209 : i32 to index
          %get3A_257 = tpu.vector_load %arg4[%get3A_255, %get3A_256] {strides = array<i32>} : memref<32x768xf32, #tpu.memory_space<vmem>>, vector<1x16xf32>,
          %get3A_258 = vector.shape_cast %get3A_257 : vector<1x16xf32> to vector<16xf32>
          %add3A_259 = arith.addf %scan3A_231, %get3A_258 : vector<16xf32>
          %scan3A_260 = arith.constant 1 : i32
          %scan3A_261 = arith.addi %scan3A_227, %scan3A_260 : i32
          %mul3A_262 = arith.constant 4 : i32
          %mul3A_263 = arith.muli %scan3A_261, %mul3A_262 : i32
          %get3A_264 = arith.index_cast %mul3A_263 : i32 to index
          %get3A_265 = arith.index_cast %mul3A_209 : i32 to index
          %get3A_266 = tpu.vector_load %arg4[%get3A_264, %get3A_265] {strides = array<i32>} : memref<32x768xf32, #tpu.memory_space<vmem>>, vector<1x16xf32>,
          %get3A_267 = vector.shape_cast %get3A_266 : vector<1x16xf32> to vector<16xf32>
          %add3A_268 = arith.addf %add3A_238, %get3A_267 : vector<16xf32>
          %add3A_269 = arith.constant 1 : i32
          %add3A_270 = arith.addi %mul3A_263, %add3A_269 : i32
          %get3A_271 = arith.index_cast %add3A_270 : i32 to index
          %get3A_272 = arith.index_cast %mul3A_209 : i32 to index
          %get3A_273 = tpu.vector_load %arg4[%get3A_271, %get3A_272] {strides = array<i32>} : memref<32x768xf32, #tpu.memory_space<vmem>>, vector<1x16xf32>,
          %get3A_274 = vector.shape_cast %get3A_273 : vector<1x16xf32> to vector<16xf32>
          %add3A_275 = arith.addf %add3A_245, %get3A_274 : vector<16xf32>
          %add3A_276 = arith.constant 2 : i32
          %add3A_277 = arith.addi %mul3A_263, %add3A_276 : i32
          %get3A_278 = arith.index_cast %add3A_277 : i32 to index
          %get3A_279 = arith.index_cast %mul3A_209 : i32 to index
          %get3A_280 = tpu.vector_load %arg4[%get3A_278, %get3A_279] {strides = array<i32>} : memref<32x768xf32, #tpu.memory_space<vmem>>, vector<1x16xf32>,
          %get3A_281 = vector.shape_cast %get3A_280 : vector<1x16xf32> to vector<16xf32>
          %add3A_282 = arith.addf %add3A_252, %get3A_281 : vector<16xf32>
          %add3A_283 = arith.constant 3 : i32
          %add3A_284 = arith.addi %mul3A_263, %add3A_283 : i32
          %get3A_285 = arith.index_cast %add3A_284 : i32 to index
          %get3A_286 = arith.index_cast %mul3A_209 : i32 to index
          %get3A_287 = tpu.vector_load %arg4[%get3A_285, %get3A_286] {strides = array<i32>} : memref<32x768xf32, #tpu.memory_space<vmem>>, vector<1x16xf32>,
          %get3A_288 = vector.shape_cast %get3A_287 : vector<1x16xf32> to vector<16xf32>
          %add3A_289 = arith.addf %add3A_259, %get3A_288 : vector<16xf32>
          %scan3A_290 = arith.constant 2 : i32
          %scan3A_291 = arith.addi %scan3A_227, %scan3A_290 : i32
          %mul3A_292 = arith.constant 4 : i32
          %mul3A_293 = arith.muli %scan3A_291, %mul3A_292 : i32
          %get3A_294 = arith.index_cast %mul3A_293 : i32 to index
          %get3A_295 = arith.index_cast %mul3A_209 : i32 to index
          %get3A_296 = tpu.vector_load %arg4[%get3A_294, %get3A_295] {strides = array<i32>} : memref<32x768xf32, #tpu.memory_space<vmem>>, vector<1x16xf32>,
          %get3A_297 = vector.shape_cast %get3A_296 : vector<1x16xf32> to vector<16xf32>
          %add3A_298 = arith.addf %add3A_268, %get3A_297 : vector<16xf32>
          %add3A_299 = arith.constant 1 : i32
          %add3A_300 = arith.addi %mul3A_293, %add3A_299 : i32
          %get3A_301 = arith.index_cast %add3A_300 : i32 to index
          %get3A_302 = arith.index_cast %mul3A_209 : i32 to index
          %get3A_303 = tpu.vector_load %arg4[%get3A_301, %get3A_302] {strides = array<i32>} : memref<32x768xf32, #tpu.memory_space<vmem>>, vector<1x16xf32>,
          %get3A_304 = vector.shape_cast %get3A_303 : vector<1x16xf32> to vector<16xf32>
          %add3A_305 = arith.addf %add3A_275, %get3A_304 : vector<16xf32>
          %add3A_306 = arith.constant 2 : i32
          %add3A_307 = arith.addi %mul3A_293, %add3A_306 : i32
          %get3A_308 = arith.index_cast %add3A_307 : i32 to index
          %get3A_309 = arith.index_cast %mul3A_209 : i32 to index
          %get3A_310 = tpu.vector_load %arg4[%get3A_308, %get3A_309] {strides = array<i32>} : memref<32x768xf32, #tpu.memory_space<vmem>>, vector<1x16xf32>,
          %get3A_311 = vector.shape_cast %get3A_310 : vector<1x16xf32> to vector<16xf32>
          %add3A_312 = arith.addf %add3A_282, %get3A_311 : vector<16xf32>
          %add3A_313 = arith.constant 3 : i32
          %add3A_314 = arith.addi %mul3A_293, %add3A_313 : i32
          %get3A_315 = arith.index_cast %add3A_314 : i32 to index
          %get3A_316 = arith.index_cast %mul3A_209 : i32 to index
          %get3A_317 = tpu.vector_load %arg4[%get3A_315, %get3A_316] {strides = array<i32>} : memref<32x768xf32, #tpu.memory_space<vmem>>, vector<1x16xf32>,
          %get3A_318 = vector.shape_cast %get3A_317 : vector<1x16xf32> to vector<16xf32>
          %add3A_319 = arith.addf %add3A_289, %get3A_318 : vector<16xf32>
          %scan3A_320 = arith.constant 3 : i32
          %scan3A_321 = arith.addi %scan3A_227, %scan3A_320 : i32
          %mul3A_322 = arith.constant 4 : i32
          %mul3A_323 = arith.muli %scan3A_321, %mul3A_322 : i32
          %get3A_324 = arith.index_cast %mul3A_323 : i32 to index
          %get3A_325 = arith.index_cast %mul3A_209 : i32 to index
          %get3A_326 = tpu.vector_load %arg4[%get3A_324, %get3A_325] {strides = array<i32>} : memref<32x768xf32, #tpu.memory_space<vmem>>, vector<1x16xf32>,
          %get3A_327 = vector.shape_cast %get3A_326 : vector<1x16xf32> to vector<16xf32>
          %add3A_328 = arith.addf %add3A_298, %get3A_327 : vector<16xf32>
          %add3A_329 = arith.constant 1 : i32
          %add3A_330 = arith.addi %mul3A_323, %add3A_329 : i32
          %get3A_331 = arith.index_cast %add3A_330 : i32 to index
          %get3A_332 = arith.index_cast %mul3A_209 : i32 to index
          %get3A_333 = tpu.vector_load %arg4[%get3A_331, %get3A_332] {strides = array<i32>} : memref<32x768xf32, #tpu.memory_space<vmem>>, vector<1x16xf32>,
          %get3A_334 = vector.shape_cast %get3A_333 : vector<1x16xf32> to vector<16xf32>
          %add3A_335 = arith.addf %add3A_305, %get3A_334 : vector<16xf32>
          %add3A_336 = arith.constant 2 : i32
          %add3A_337 = arith.addi %mul3A_323, %add3A_336 : i32
          %get3A_338 = arith.index_cast %add3A_337 : i32 to index
          %get3A_339 = arith.index_cast %mul3A_209 : i32 to index
          %get3A_340 = tpu.vector_load %arg4[%get3A_338, %get3A_339] {strides = array<i32>} : memref<32x768xf32, #tpu.memory_space<vmem>>, vector<1x16xf32>,
          %get3A_341 = vector.shape_cast %get3A_340 : vector<1x16xf32> to vector<16xf32>
          %add3A_342 = arith.addf %add3A_312, %get3A_341 : vector<16xf32>
          %add3A_343 = arith.constant 3 : i32
          %add3A_344 = arith.addi %mul3A_323, %add3A_343 : i32
          %get3A_345 = arith.index_cast %add3A_344 : i32 to index
          %get3A_346 = arith.index_cast %mul3A_209 : i32 to index
          %get3A_347 = tpu.vector_load %arg4[%get3A_345, %get3A_346] {strides = array<i32>} : memref<32x768xf32, #tpu.memory_space<vmem>>, vector<1x16xf32>,
          %get3A_348 = vector.shape_cast %get3A_347 : vector<1x16xf32> to vector<16xf32>
          %add3A_349 = arith.addf %add3A_319, %get3A_348 : vector<16xf32>
          scf.yield %add3A_328, %add3A_335, %add3A_342, %add3A_349 : vector<16xf32>, vector<16xf32>, vector<16xf32>, vector<16xf32>
        }
        %scan3A_216 = arith.constant 8 : i32
        %get3A = arith.index_cast %mul3A_209 : i32 to index
        %get3A_217 = tpu.vector_load %arg8[%get3A] {strides = array<i32>} : memref<768xf32, #tpu.memory_space<vmem>>, vector<16xf32>,
        %get3A_218 = vector.shape_cast %get3A_217 : vector<16xf32> to vector<16xf32>
        %add3A_219 = arith.addf %scan3A_215#0, %scan3A_215#1 : vector<16xf32>
        %add3A_220 = arith.addf %scan3A_215#2, %scan3A_215#3 : vector<16xf32>
        %add3A_221 = arith.addf %add3A_219, %add3A_220 : vector<16xf32>
        %add3A_222 = arith.addf %get3A_218, %add3A_221 : vector<16xf32>
        %swap3A = arith.index_cast %mul3A_209 : i32 to index
        %swap3A_223 = tpu.vector_load %arg8[%swap3A] {strides = array<i32>} : memref<768xf32, #tpu.memory_space<vmem>>, vector<16xf32>,
        %swap3A_224 = vector.shape_cast %swap3A_223 : vector<16xf32> to vector<16xf32>
        %swap3A_225 = vector.shape_cast %add3A_222 : vector<16xf32> to vector<16xf32>
        tpu.vector_store %arg8[%swap3A], %swap3A_225 {strides = array<i32>} : memref<768xf32, #tpu.memory_space<vmem>>, vector<16xf32>,
        %scan3A_226 = arith.constant 0 : i32
        scf.yield %scan3A_226 : i32
      }
      %scan3A_116 = arith.constant 48 : i32
      %add3A_117 = arith.constant 4 : i32
      %add3A_118 = arith.addi %add3A_101, %add3A_117 : i32
      %lt3A_119 = arith.constant 8 : i32
      %lt3A_120 = arith.cmpi slt, %add3A_118, %lt3A_119 : i32
      %convert_element_type3A_121 = arith.extui %lt3A_120 : i1 to i32
      %cond3A_122 = arith.constant 0 : i32
      %cond3A_123 = arith.cmpi ne, %convert_element_type3A_121, %cond3A_122 : i32
      scf.if %cond3A_123 {
        %add3A_206 = arith.constant 128 : i32
        %add3A_207 = arith.addi %add3A_104, %add3A_206 : i32
        %dma_start3A_208 = arith.constant 0 : i32
        %dma_start3A_209 = tpu.memref_slice %arg2[%add3A, %add3A_207, %dma_start3A_208] : memref<16x4096x768xf32, #tpu.memory_space<hbm>> -> memref<1x32x768xf32, #tpu.memory_space<hbm>>
        %dma_start3A_210 = tpu.memref_squeeze %dma_start3A_209 : memref<1x32x768xf32, #tpu.memory_space<hbm>> -> memref<32x768xf32, #tpu.memory_space<hbm>>
        %dma_start3A_211 = arith.constant 0 : i32
        %dma_start3A_212 = tpu.memref_slice %arg2[%add3A, %add3A_207, %dma_start3A_211] : memref<16x4096x768xf32, #tpu.memory_space<hbm>> -> memref<1x32x768xf32, #tpu.memory_space<hbm>>
        %dma_start3A_213 = tpu.memref_squeeze %dma_start3A_212 : memref<1x32x768xf32, #tpu.memory_space<hbm>> -> memref<32x768xf32, #tpu.memory_space<hbm>>
        tpu.enqueue_dma source(%dma_start3A_213 : memref<32x768xf32, #tpu.memory_space<hbm>>) target(%arg4 : memref<32x768xf32, #tpu.memory_space<vmem>>) target_semaphore(%arg11 : memref<!tpu.dma_semaphore, #tpu.memory_space<semaphore_mem>>)
      } else {
      }
      %mul3A_124 = arith.constant 4 : i32
      %mul3A_125 = arith.muli %mul3A_124, %scan3A_96 : i32
      %add3A_126 = arith.constant 1 : i32
      %add3A_127 = arith.addi %mul3A_125, %add3A_126 : i32
      %mul3A_128 = arith.constant 32 : i32
      %mul3A_129 = arith.muli %add3A_127, %mul3A_128 : i32
      %add3A_130 = arith.addi %mul3A_32, %mul3A_129 : i32
      %dma_wait3A_131 = arith.constant 0 : i32
      %dma_wait3A_132 = tpu.memref_slice %arg2[%add3A, %add3A_130, %dma_wait3A_131] : memref<16x4096x768xf32, #tpu.memory_space<hbm>> -> memref<1x32x768xf32, #tpu.memory_space<hbm>>
      %dma_wait3A_133 = tpu.memref_squeeze %dma_wait3A_132 : memref<1x32x768xf32, #tpu.memory_space<hbm>> -> memref<32x768xf32, #tpu.memory_space<hbm>>
      %dma_wait3A_134 = arith.constant 0 : i32
      %dma_wait3A_135 = tpu.memref_slice %arg2[%add3A, %add3A_130, %dma_wait3A_134] : memref<16x4096x768xf32, #tpu.memory_space<hbm>> -> memref<1x32x768xf32, #tpu.memory_space<hbm>>
      %dma_wait3A_136 = tpu.memref_squeeze %dma_wait3A_135 : memref<1x32x768xf32, #tpu.memory_space<hbm>> -> memref<32x768xf32, #tpu.memory_space<hbm>>
      tpu.wait_dma2 semaphore(%arg12 : memref<!tpu.dma_semaphore, #tpu.memory_space<semaphore_mem>>) src(%dma_wait3A_136 : memref<32x768xf32, #tpu.memory_space<hbm>>) dst(%arg5 : memref<32x768xf32, #tpu.memory_space<vmem>>)
      %scan3A_137 = arith.constant 0 : i32
      %scan3A_138 = arith.constant 0 : i32
      %scan3A_139 = arith.constant 48 : i32
      %scan3A_140 = arith.addi %scan3A_138, %scan3A_139 : i32
      %scan3A_141 = arith.constant 1 : i32
      %scan3A_142 = scf.for %scan3A_206 = %scan3A_138 to %scan3A_140 step %scan3A_141 iter_args(%scan3A_207 = %scan3A_137) -> (i32)  : i32 {
        %mul3A_208 = arith.constant 16 : i32
        %mul3A_209 = arith.muli %scan3A_206, %mul3A_208 : i32
        %broadcast_in_dim3A = arith.constant 0.000000e+00 : f32
        %broadcast_in_dim3A_210 = vector.broadcast %broadcast_in_dim3A : f32 to vector<16xf32>
        %scan3A_211 = arith.constant 0 : i32
        %scan3A_212 = arith.constant 8 : i32
        %scan3A_213 = arith.addi %scan3A_211, %scan3A_212 : i32
        %scan3A_214 = arith.constant 4 : i32
        %scan3A_215:4 = scf.for %scan3A_227 = %scan3A_211 to %scan3A_213 step %scan3A_214 iter_args(%scan3A_228 = %broadcast_in_dim3A_210, %scan3A_229 = %broadcast_in_dim3A_210, %scan3A_230 = %broadcast_in_dim3A_210, %scan3A_231 = %broadcast_in_dim3A_210) -> (vector<16xf32>, vector<16xf32>, vector<16xf32>, vector<16xf32>)  : i32 {
          %mul3A_232 = arith.constant 4 : i32
          %mul3A_233 = arith.muli %scan3A_227, %mul3A_232 : i32
          %get3A_234 = arith.index_cast %mul3A_233 : i32 to index
          %get3A_235 = arith.index_cast %mul3A_209 : i32 to index
          %get3A_236 = tpu.vector_load %arg5[%get3A_234, %get3A_235] {strides = array<i32>} : memref<32x768xf32, #tpu.memory_space<vmem>>, vector<1x16xf32>,
          %get3A_237 = vector.shape_cast %get3A_236 : vector<1x16xf32> to vector<16xf32>
          %add3A_238 = arith.addf %scan3A_228, %get3A_237 : vector<16xf32>
          %add3A_239 = arith.constant 1 : i32
          %add3A_240 = arith.addi %mul3A_233, %add3A_239 : i32
          %get3A_241 = arith.index_cast %add3A_240 : i32 to index
          %get3A_242 = arith.index_cast %mul3A_209 : i32 to index
          %get3A_243 = tpu.vector_load %arg5[%get3A_241, %get3A_242] {strides = array<i32>} : memref<32x768xf32, #tpu.memory_space<vmem>>, vector<1x16xf32>,
          %get3A_244 = vector.shape_cast %get3A_243 : vector<1x16xf32> to vector<16xf32>
          %add3A_245 = arith.addf %scan3A_229, %get3A_244 : vector<16xf32>
          %add3A_246 = arith.constant 2 : i32
          %add3A_247 = arith.addi %mul3A_233, %add3A_246 : i32
          %get3A_248 = arith.index_cast %add3A_247 : i32 to index
          %get3A_249 = arith.index_cast %mul3A_209 : i32 to index
          %get3A_250 = tpu.vector_load %arg5[%get3A_248, %get3A_249] {strides = array<i32>} : memref<32x768xf32, #tpu.memory_space<vmem>>, vector<1x16xf32>,
          %get3A_251 = vector.shape_cast %get3A_250 : vector<1x16xf32> to vector<16xf32>
          %add3A_252 = arith.addf %scan3A_230, %get3A_251 : vector<16xf32>
          %add3A_253 = arith.constant 3 : i32
          %add3A_254 = arith.addi %mul3A_233, %add3A_253 : i32
          %get3A_255 = arith.index_cast %add3A_254 : i32 to index
          %get3A_256 = arith.index_cast %mul3A_209 : i32 to index
          %get3A_257 = tpu.vector_load %arg5[%get3A_255, %get3A_256] {strides = array<i32>} : memref<32x768xf32, #tpu.memory_space<vmem>>, vector<1x16xf32>,
          %get3A_258 = vector.shape_cast %get3A_257 : vector<1x16xf32> to vector<16xf32>
          %add3A_259 = arith.addf %scan3A_231, %get3A_258 : vector<16xf32>
          %scan3A_260 = arith.constant 1 : i32
          %scan3A_261 = arith.addi %scan3A_227, %scan3A_260 : i32
          %mul3A_262 = arith.constant 4 : i32
          %mul3A_263 = arith.muli %scan3A_261, %mul3A_262 : i32
          %get3A_264 = arith.index_cast %mul3A_263 : i32 to index
          %get3A_265 = arith.index_cast %mul3A_209 : i32 to index
          %get3A_266 = tpu.vector_load %arg5[%get3A_264, %get3A_265] {strides = array<i32>} : memref<32x768xf32, #tpu.memory_space<vmem>>, vector<1x16xf32>,
          %get3A_267 = vector.shape_cast %get3A_266 : vector<1x16xf32> to vector<16xf32>
          %add3A_268 = arith.addf %add3A_238, %get3A_267 : vector<16xf32>
          %add3A_269 = arith.constant 1 : i32
          %add3A_270 = arith.addi %mul3A_263, %add3A_269 : i32
          %get3A_271 = arith.index_cast %add3A_270 : i32 to index
          %get3A_272 = arith.index_cast %mul3A_209 : i32 to index
          %get3A_273 = tpu.vector_load %arg5[%get3A_271, %get3A_272] {strides = array<i32>} : memref<32x768xf32, #tpu.memory_space<vmem>>, vector<1x16xf32>,
          %get3A_274 = vector.shape_cast %get3A_273 : vector<1x16xf32> to vector<16xf32>
          %add3A_275 = arith.addf %add3A_245, %get3A_274 : vector<16xf32>
          %add3A_276 = arith.constant 2 : i32
          %add3A_277 = arith.addi %mul3A_263, %add3A_276 : i32
          %get3A_278 = arith.index_cast %add3A_277 : i32 to index
          %get3A_279 = arith.index_cast %mul3A_209 : i32 to index
          %get3A_280 = tpu.vector_load %arg5[%get3A_278, %get3A_279] {strides = array<i32>} : memref<32x768xf32, #tpu.memory_space<vmem>>, vector<1x16xf32>,
          %get3A_281 = vector.shape_cast %get3A_280 : vector<1x16xf32> to vector<16xf32>
          %add3A_282 = arith.addf %add3A_252, %get3A_281 : vector<16xf32>
          %add3A_283 = arith.constant 3 : i32
          %add3A_284 = arith.addi %mul3A_263, %add3A_283 : i32
          %get3A_285 = arith.index_cast %add3A_284 : i32 to index
          %get3A_286 = arith.index_cast %mul3A_209 : i32 to index
          %get3A_287 = tpu.vector_load %arg5[%get3A_285, %get3A_286] {strides = array<i32>} : memref<32x768xf32, #tpu.memory_space<vmem>>, vector<1x16xf32>,
          %get3A_288 = vector.shape_cast %get3A_287 : vector<1x16xf32> to vector<16xf32>
          %add3A_289 = arith.addf %add3A_259, %get3A_288 : vector<16xf32>
          %scan3A_290 = arith.constant 2 : i32
          %scan3A_291 = arith.addi %scan3A_227, %scan3A_290 : i32
          %mul3A_292 = arith.constant 4 : i32
          %mul3A_293 = arith.muli %scan3A_291, %mul3A_292 : i32
          %get3A_294 = arith.index_cast %mul3A_293 : i32 to index
          %get3A_295 = arith.index_cast %mul3A_209 : i32 to index
          %get3A_296 = tpu.vector_load %arg5[%get3A_294, %get3A_295] {strides = array<i32>} : memref<32x768xf32, #tpu.memory_space<vmem>>, vector<1x16xf32>,
          %get3A_297 = vector.shape_cast %get3A_296 : vector<1x16xf32> to vector<16xf32>
          %add3A_298 = arith.addf %add3A_268, %get3A_297 : vector<16xf32>
          %add3A_299 = arith.constant 1 : i32
          %add3A_300 = arith.addi %mul3A_293, %add3A_299 : i32
          %get3A_301 = arith.index_cast %add3A_300 : i32 to index
          %get3A_302 = arith.index_cast %mul3A_209 : i32 to index
          %get3A_303 = tpu.vector_load %arg5[%get3A_301, %get3A_302] {strides = array<i32>} : memref<32x768xf32, #tpu.memory_space<vmem>>, vector<1x16xf32>,
          %get3A_304 = vector.shape_cast %get3A_303 : vector<1x16xf32> to vector<16xf32>
          %add3A_305 = arith.addf %add3A_275, %get3A_304 : vector<16xf32>
          %add3A_306 = arith.constant 2 : i32
          %add3A_307 = arith.addi %mul3A_293, %add3A_306 : i32
          %get3A_308 = arith.index_cast %add3A_307 : i32 to index
          %get3A_309 = arith.index_cast %mul3A_209 : i32 to index
          %get3A_310 = tpu.vector_load %arg5[%get3A_308, %get3A_309] {strides = array<i32>} : memref<32x768xf32, #tpu.memory_space<vmem>>, vector<1x16xf32>,
          %get3A_311 = vector.shape_cast %get3A_310 : vector<1x16xf32> to vector<16xf32>
          %add3A_312 = arith.addf %add3A_282, %get3A_311 : vector<16xf32>
          %add3A_313 = arith.constant 3 : i32
          %add3A_314 = arith.addi %mul3A_293, %add3A_313 : i32
          %get3A_315 = arith.index_cast %add3A_314 : i32 to index
          %get3A_316 = arith.index_cast %mul3A_209 : i32 to index
          %get3A_317 = tpu.vector_load %arg5[%get3A_315, %get3A_316] {strides = array<i32>} : memref<32x768xf32, #tpu.memory_space<vmem>>, vector<1x16xf32>,
          %get3A_318 = vector.shape_cast %get3A_317 : vector<1x16xf32> to vector<16xf32>
          %add3A_319 = arith.addf %add3A_289, %get3A_318 : vector<16xf32>
          %scan3A_320 = arith.constant 3 : i32
          %scan3A_321 = arith.addi %scan3A_227, %scan3A_320 : i32
          %mul3A_322 = arith.constant 4 : i32
          %mul3A_323 = arith.muli %scan3A_321, %mul3A_322 : i32
          %get3A_324 = arith.index_cast %mul3A_323 : i32 to index
          %get3A_325 = arith.index_cast %mul3A_209 : i32 to index
          %get3A_326 = tpu.vector_load %arg5[%get3A_324, %get3A_325] {strides = array<i32>} : memref<32x768xf32, #tpu.memory_space<vmem>>, vector<1x16xf32>,
          %get3A_327 = vector.shape_cast %get3A_326 : vector<1x16xf32> to vector<16xf32>
          %add3A_328 = arith.addf %add3A_298, %get3A_327 : vector<16xf32>
          %add3A_329 = arith.constant 1 : i32
          %add3A_330 = arith.addi %mul3A_323, %add3A_329 : i32
          %get3A_331 = arith.index_cast %add3A_330 : i32 to index
          %get3A_332 = arith.index_cast %mul3A_209 : i32 to index
          %get3A_333 = tpu.vector_load %arg5[%get3A_331, %get3A_332] {strides = array<i32>} : memref<32x768xf32, #tpu.memory_space<vmem>>, vector<1x16xf32>,
          %get3A_334 = vector.shape_cast %get3A_333 : vector<1x16xf32> to vector<16xf32>
          %add3A_335 = arith.addf %add3A_305, %get3A_334 : vector<16xf32>
          %add3A_336 = arith.constant 2 : i32
          %add3A_337 = arith.addi %mul3A_323, %add3A_336 : i32
          %get3A_338 = arith.index_cast %add3A_337 : i32 to index
          %get3A_339 = arith.index_cast %mul3A_209 : i32 to index
          %get3A_340 = tpu.vector_load %arg5[%get3A_338, %get3A_339] {strides = array<i32>} : memref<32x768xf32, #tpu.memory_space<vmem>>, vector<1x16xf32>,
          %get3A_341 = vector.shape_cast %get3A_340 : vector<1x16xf32> to vector<16xf32>
          %add3A_342 = arith.addf %add3A_312, %get3A_341 : vector<16xf32>
          %add3A_343 = arith.constant 3 : i32
          %add3A_344 = arith.addi %mul3A_323, %add3A_343 : i32
          %get3A_345 = arith.index_cast %add3A_344 : i32 to index
          %get3A_346 = arith.index_cast %mul3A_209 : i32 to index
          %get3A_347 = tpu.vector_load %arg5[%get3A_345, %get3A_346] {strides = array<i32>} : memref<32x768xf32, #tpu.memory_space<vmem>>, vector<1x16xf32>,
          %get3A_348 = vector.shape_cast %get3A_347 : vector<1x16xf32> to vector<16xf32>
          %add3A_349 = arith.addf %add3A_319, %get3A_348 : vector<16xf32>
          scf.yield %add3A_328, %add3A_335, %add3A_342, %add3A_349 : vector<16xf32>, vector<16xf32>, vector<16xf32>, vector<16xf32>
        }
        %scan3A_216 = arith.constant 8 : i32
        %get3A = arith.index_cast %mul3A_209 : i32 to index
        %get3A_217 = tpu.vector_load %arg8[%get3A] {strides = array<i32>} : memref<768xf32, #tpu.memory_space<vmem>>, vector<16xf32>,
        %get3A_218 = vector.shape_cast %get3A_217 : vector<16xf32> to vector<16xf32>
        %add3A_219 = arith.addf %scan3A_215#0, %scan3A_215#1 : vector<16xf32>
        %add3A_220 = arith.addf %scan3A_215#2, %scan3A_215#3 : vector<16xf32>
        %add3A_221 = arith.addf %add3A_219, %add3A_220 : vector<16xf32>
        %add3A_222 = arith.addf %get3A_218, %add3A_221 : vector<16xf32>
        %swap3A = arith.index_cast %mul3A_209 : i32 to index
        %swap3A_223 = tpu.vector_load %arg8[%swap3A] {strides = array<i32>} : memref<768xf32, #tpu.memory_space<vmem>>, vector<16xf32>,
        %swap3A_224 = vector.shape_cast %swap3A_223 : vector<16xf32> to vector<16xf32>
        %swap3A_225 = vector.shape_cast %add3A_222 : vector<16xf32> to vector<16xf32>
        tpu.vector_store %arg8[%swap3A], %swap3A_225 {strides = array<i32>} : memref<768xf32, #tpu.memory_space<vmem>>, vector<16xf32>,
        %scan3A_226 = arith.constant 0 : i32
        scf.yield %scan3A_226 : i32
      }
      %scan3A_143 = arith.constant 48 : i32
      %add3A_144 = arith.constant 4 : i32
      %add3A_145 = arith.addi %add3A_127, %add3A_144 : i32
      %lt3A_146 = arith.constant 8 : i32
      %lt3A_147 = arith.cmpi slt, %add3A_145, %lt3A_146 : i32
      %convert_element_type3A_148 = arith.extui %lt3A_147 : i1 to i32
      %cond3A_149 = arith.constant 0 : i32
      %cond3A_150 = arith.cmpi ne, %convert_element_type3A_148, %cond3A_149 : i32
      scf.if %cond3A_150 {
        %add3A_206 = arith.constant 128 : i32
        %add3A_207 = arith.addi %add3A_130, %add3A_206 : i32
        %dma_start3A_208 = arith.constant 0 : i32
        %dma_start3A_209 = tpu.memref_slice %arg2[%add3A, %add3A_207, %dma_start3A_208] : memref<16x4096x768xf32, #tpu.memory_space<hbm>> -> memref<1x32x768xf32, #tpu.memory_space<hbm>>
        %dma_start3A_210 = tpu.memref_squeeze %dma_start3A_209 : memref<1x32x768xf32, #tpu.memory_space<hbm>> -> memref<32x768xf32, #tpu.memory_space<hbm>>
        %dma_start3A_211 = arith.constant 0 : i32
        %dma_start3A_212 = tpu.memref_slice %arg2[%add3A, %add3A_207, %dma_start3A_211] : memref<16x4096x768xf32, #tpu.memory_space<hbm>> -> memref<1x32x768xf32, #tpu.memory_space<hbm>>
        %dma_start3A_213 = tpu.memref_squeeze %dma_start3A_212 : memref<1x32x768xf32, #tpu.memory_space<hbm>> -> memref<32x768xf32, #tpu.memory_space<hbm>>
        tpu.enqueue_dma source(%dma_start3A_213 : memref<32x768xf32, #tpu.memory_space<hbm>>) target(%arg5 : memref<32x768xf32, #tpu.memory_space<vmem>>) target_semaphore(%arg12 : memref<!tpu.dma_semaphore, #tpu.memory_space<semaphore_mem>>)
      } else {
      }
      %mul3A_151 = arith.constant 4 : i32
      %mul3A_152 = arith.muli %mul3A_151, %scan3A_96 : i32
      %add3A_153 = arith.constant 2 : i32
      %add3A_154 = arith.addi %mul3A_152, %add3A_153 : i32
      %mul3A_155 = arith.constant 32 : i32
      %mul3A_156 = arith.muli %add3A_154, %mul3A_155 : i32
      %add3A_157 = arith.addi %mul3A_32, %mul3A_156 : i32
      %dma_wait3A_158 = arith.constant 0 : i32
      %dma_wait3A_159 = tpu.memref_slice %arg2[%add3A, %add3A_157, %dma_wait3A_158] : memref<16x4096x768xf32, #tpu.memory_space<hbm>> -> memref<1x32x768xf32, #tpu.memory_space<hbm>>
      %dma_wait3A_160 = tpu.memref_squeeze %dma_wait3A_159 : memref<1x32x768xf32, #tpu.memory_space<hbm>> -> memref<32x768xf32, #tpu.memory_space<hbm>>
      %dma_wait3A_161 = arith.constant 0 : i32
      %dma_wait3A_162 = tpu.memref_slice %arg2[%add3A, %add3A_157, %dma_wait3A_161] : memref<16x4096x768xf32, #tpu.memory_space<hbm>> -> memref<1x32x768xf32, #tpu.memory_space<hbm>>
      %dma_wait3A_163 = tpu.memref_squeeze %dma_wait3A_162 : memref<1x32x768xf32, #tpu.memory_space<hbm>> -> memref<32x768xf32, #tpu.memory_space<hbm>>
      tpu.wait_dma2 semaphore(%arg13 : memref<!tpu.dma_semaphore, #tpu.memory_space<semaphore_mem>>) src(%dma_wait3A_163 : memref<32x768xf32, #tpu.memory_space<hbm>>) dst(%arg6 : memref<32x768xf32, #tpu.memory_space<vmem>>)
      %scan3A_164 = arith.constant 0 : i32
      %scan3A_165 = arith.constant 0 : i32
      %scan3A_166 = arith.constant 48 : i32
      %scan3A_167 = arith.addi %scan3A_165, %scan3A_166 : i32
      %scan3A_168 = arith.constant 1 : i32
      %scan3A_169 = scf.for %scan3A_206 = %scan3A_165 to %scan3A_167 step %scan3A_168 iter_args(%scan3A_207 = %scan3A_164) -> (i32)  : i32 {
        %mul3A_208 = arith.constant 16 : i32
        %mul3A_209 = arith.muli %scan3A_206, %mul3A_208 : i32
        %broadcast_in_dim3A = arith.constant 0.000000e+00 : f32
        %broadcast_in_dim3A_210 = vector.broadcast %broadcast_in_dim3A : f32 to vector<16xf32>
        %scan3A_211 = arith.constant 0 : i32
        %scan3A_212 = arith.constant 8 : i32
        %scan3A_213 = arith.addi %scan3A_211, %scan3A_212 : i32
        %scan3A_214 = arith.constant 4 : i32
        %scan3A_215:4 = scf.for %scan3A_227 = %scan3A_211 to %scan3A_213 step %scan3A_214 iter_args(%scan3A_228 = %broadcast_in_dim3A_210, %scan3A_229 = %broadcast_in_dim3A_210, %scan3A_230 = %broadcast_in_dim3A_210, %scan3A_231 = %broadcast_in_dim3A_210) -> (vector<16xf32>, vector<16xf32>, vector<16xf32>, vector<16xf32>)  : i32 {
          %mul3A_232 = arith.constant 4 : i32
          %mul3A_233 = arith.muli %scan3A_227, %mul3A_232 : i32
          %get3A_234 = arith.index_cast %mul3A_233 : i32 to index
          %get3A_235 = arith.index_cast %mul3A_209 : i32 to index
          %get3A_236 = tpu.vector_load %arg6[%get3A_234, %get3A_235] {strides = array<i32>} : memref<32x768xf32, #tpu.memory_space<vmem>>, vector<1x16xf32>,
          %get3A_237 = vector.shape_cast %get3A_236 : vector<1x16xf32> to vector<16xf32>
          %add3A_238 = arith.addf %scan3A_228, %get3A_237 : vector<16xf32>
          %add3A_239 = arith.constant 1 : i32
          %add3A_240 = arith.addi %mul3A_233, %add3A_239 : i32
          %get3A_241 = arith.index_cast %add3A_240 : i32 to index
          %get3A_242 = arith.index_cast %mul3A_209 : i32 to index
          %get3A_243 = tpu.vector_load %arg6[%get3A_241, %get3A_242] {strides = array<i32>} : memref<32x768xf32, #tpu.memory_space<vmem>>, vector<1x16xf32>,
          %get3A_244 = vector.shape_cast %get3A_243 : vector<1x16xf32> to vector<16xf32>
          %add3A_245 = arith.addf %scan3A_229, %get3A_244 : vector<16xf32>
          %add3A_246 = arith.constant 2 : i32
          %add3A_247 = arith.addi %mul3A_233, %add3A_246 : i32
          %get3A_248 = arith.index_cast %add3A_247 : i32 to index
          %get3A_249 = arith.index_cast %mul3A_209 : i32 to index
          %get3A_250 = tpu.vector_load %arg6[%get3A_248, %get3A_249] {strides = array<i32>} : memref<32x768xf32, #tpu.memory_space<vmem>>, vector<1x16xf32>,
          %get3A_251 = vector.shape_cast %get3A_250 : vector<1x16xf32> to vector<16xf32>
          %add3A_252 = arith.addf %scan3A_230, %get3A_251 : vector<16xf32>
          %add3A_253 = arith.constant 3 : i32
          %add3A_254 = arith.addi %mul3A_233, %add3A_253 : i32
          %get3A_255 = arith.index_cast %add3A_254 : i32 to index
          %get3A_256 = arith.index_cast %mul3A_209 : i32 to index
          %get3A_257 = tpu.vector_load %arg6[%get3A_255, %get3A_256] {strides = array<i32>} : memref<32x768xf32, #tpu.memory_space<vmem>>, vector<1x16xf32>,
          %get3A_258 = vector.shape_cast %get3A_257 : vector<1x16xf32> to vector<16xf32>
          %add3A_259 = arith.addf %scan3A_231, %get3A_258 : vector<16xf32>
          %scan3A_260 = arith.constant 1 : i32
          %scan3A_261 = arith.addi %scan3A_227, %scan3A_260 : i32
          %mul3A_262 = arith.constant 4 : i32
          %mul3A_263 = arith.muli %scan3A_261, %mul3A_262 : i32
          %get3A_264 = arith.index_cast %mul3A_263 : i32 to index
          %get3A_265 = arith.index_cast %mul3A_209 : i32 to index
          %get3A_266 = tpu.vector_load %arg6[%get3A_264, %get3A_265] {strides = array<i32>} : memref<32x768xf32, #tpu.memory_space<vmem>>, vector<1x16xf32>,
          %get3A_267 = vector.shape_cast %get3A_266 : vector<1x16xf32> to vector<16xf32>
          %add3A_268 = arith.addf %add3A_238, %get3A_267 : vector<16xf32>
          %add3A_269 = arith.constant 1 : i32
          %add3A_270 = arith.addi %mul3A_263, %add3A_269 : i32
          %get3A_271 = arith.index_cast %add3A_270 : i32 to index
          %get3A_272 = arith.index_cast %mul3A_209 : i32 to index
          %get3A_273 = tpu.vector_load %arg6[%get3A_271, %get3A_272] {strides = array<i32>} : memref<32x768xf32, #tpu.memory_space<vmem>>, vector<1x16xf32>,
          %get3A_274 = vector.shape_cast %get3A_273 : vector<1x16xf32> to vector<16xf32>
          %add3A_275 = arith.addf %add3A_245, %get3A_274 : vector<16xf32>
          %add3A_276 = arith.constant 2 : i32
          %add3A_277 = arith.addi %mul3A_263, %add3A_276 : i32
          %get3A_278 = arith.index_cast %add3A_277 : i32 to index
          %get3A_279 = arith.index_cast %mul3A_209 : i32 to index
          %get3A_280 = tpu.vector_load %arg6[%get3A_278, %get3A_279] {strides = array<i32>} : memref<32x768xf32, #tpu.memory_space<vmem>>, vector<1x16xf32>,
          %get3A_281 = vector.shape_cast %get3A_280 : vector<1x16xf32> to vector<16xf32>
          %add3A_282 = arith.addf %add3A_252, %get3A_281 : vector<16xf32>
          %add3A_283 = arith.constant 3 : i32
          %add3A_284 = arith.addi %mul3A_263, %add3A_283 : i32
          %get3A_285 = arith.index_cast %add3A_284 : i32 to index
          %get3A_286 = arith.index_cast %mul3A_209 : i32 to index
          %get3A_287 = tpu.vector_load %arg6[%get3A_285, %get3A_286] {strides = array<i32>} : memref<32x768xf32, #tpu.memory_space<vmem>>, vector<1x16xf32>,
          %get3A_288 = vector.shape_cast %get3A_287 : vector<1x16xf32> to vector<16xf32>
          %add3A_289 = arith.addf %add3A_259, %get3A_288 : vector<16xf32>
          %scan3A_290 = arith.constant 2 : i32
          %scan3A_291 = arith.addi %scan3A_227, %scan3A_290 : i32
          %mul3A_292 = arith.constant 4 : i32
          %mul3A_293 = arith.muli %scan3A_291, %mul3A_292 : i32
          %get3A_294 = arith.index_cast %mul3A_293 : i32 to index
          %get3A_295 = arith.index_cast %mul3A_209 : i32 to index
          %get3A_296 = tpu.vector_load %arg6[%get3A_294, %get3A_295] {strides = array<i32>} : memref<32x768xf32, #tpu.memory_space<vmem>>, vector<1x16xf32>,
          %get3A_297 = vector.shape_cast %get3A_296 : vector<1x16xf32> to vector<16xf32>
          %add3A_298 = arith.addf %add3A_268, %get3A_297 : vector<16xf32>
          %add3A_299 = arith.constant 1 : i32
          %add3A_300 = arith.addi %mul3A_293, %add3A_299 : i32
          %get3A_301 = arith.index_cast %add3A_300 : i32 to index
          %get3A_302 = arith.index_cast %mul3A_209 : i32 to index
          %get3A_303 = tpu.vector_load %arg6[%get3A_301, %get3A_302] {strides = array<i32>} : memref<32x768xf32, #tpu.memory_space<vmem>>, vector<1x16xf32>,
          %get3A_304 = vector.shape_cast %get3A_303 : vector<1x16xf32> to vector<16xf32>
          %add3A_305 = arith.addf %add3A_275, %get3A_304 : vector<16xf32>
          %add3A_306 = arith.constant 2 : i32
          %add3A_307 = arith.addi %mul3A_293, %add3A_306 : i32
          %get3A_308 = arith.index_cast %add3A_307 : i32 to index
          %get3A_309 = arith.index_cast %mul3A_209 : i32 to index
          %get3A_310 = tpu.vector_load %arg6[%get3A_308, %get3A_309] {strides = array<i32>} : memref<32x768xf32, #tpu.memory_space<vmem>>, vector<1x16xf32>,
          %get3A_311 = vector.shape_cast %get3A_310 : vector<1x16xf32> to vector<16xf32>
          %add3A_312 = arith.addf %add3A_282, %get3A_311 : vector<16xf32>
          %add3A_313 = arith.constant 3 : i32
          %add3A_314 = arith.addi %mul3A_293, %add3A_313 : i32
          %get3A_315 = arith.index_cast %add3A_314 : i32 to index
          %get3A_316 = arith.index_cast %mul3A_209 : i32 to index
          %get3A_317 = tpu.vector_load %arg6[%get3A_315, %get3A_316] {strides = array<i32>} : memref<32x768xf32, #tpu.memory_space<vmem>>, vector<1x16xf32>,
          %get3A_318 = vector.shape_cast %get3A_317 : vector<1x16xf32> to vector<16xf32>
          %add3A_319 = arith.addf %add3A_289, %get3A_318 : vector<16xf32>
          %scan3A_320 = arith.constant 3 : i32
          %scan3A_321 = arith.addi %scan3A_227, %scan3A_320 : i32
          %mul3A_322 = arith.constant 4 : i32
          %mul3A_323 = arith.muli %scan3A_321, %mul3A_322 : i32
          %get3A_324 = arith.index_cast %mul3A_323 : i32 to index
          %get3A_325 = arith.index_cast %mul3A_209 : i32 to index
          %get3A_326 = tpu.vector_load %arg6[%get3A_324, %get3A_325] {strides = array<i32>} : memref<32x768xf32, #tpu.memory_space<vmem>>, vector<1x16xf32>,
          %get3A_327 = vector.shape_cast %get3A_326 : vector<1x16xf32> to vector<16xf32>
          %add3A_328 = arith.addf %add3A_298, %get3A_327 : vector<16xf32>
          %add3A_329 = arith.constant 1 : i32
          %add3A_330 = arith.addi %mul3A_323, %add3A_329 : i32
          %get3A_331 = arith.index_cast %add3A_330 : i32 to index
          %get3A_332 = arith.index_cast %mul3A_209 : i32 to index
          %get3A_333 = tpu.vector_load %arg6[%get3A_331, %get3A_332] {strides = array<i32>} : memref<32x768xf32, #tpu.memory_space<vmem>>, vector<1x16xf32>,
          %get3A_334 = vector.shape_cast %get3A_333 : vector<1x16xf32> to vector<16xf32>
          %add3A_335 = arith.addf %add3A_305, %get3A_334 : vector<16xf32>
          %add3A_336 = arith.constant 2 : i32
          %add3A_337 = arith.addi %mul3A_323, %add3A_336 : i32
          %get3A_338 = arith.index_cast %add3A_337 : i32 to index
          %get3A_339 = arith.index_cast %mul3A_209 : i32 to index
          %get3A_340 = tpu.vector_load %arg6[%get3A_338, %get3A_339] {strides = array<i32>} : memref<32x768xf32, #tpu.memory_space<vmem>>, vector<1x16xf32>,
          %get3A_341 = vector.shape_cast %get3A_340 : vector<1x16xf32> to vector<16xf32>
          %add3A_342 = arith.addf %add3A_312, %get3A_341 : vector<16xf32>
          %add3A_343 = arith.constant 3 : i32
          %add3A_344 = arith.addi %mul3A_323, %add3A_343 : i32
          %get3A_345 = arith.index_cast %add3A_344 : i32 to index
          %get3A_346 = arith.index_cast %mul3A_209 : i32 to index
          %get3A_347 = tpu.vector_load %arg6[%get3A_345, %get3A_346] {strides = array<i32>} : memref<32x768xf32, #tpu.memory_space<vmem>>, vector<1x16xf32>,
          %get3A_348 = vector.shape_cast %get3A_347 : vector<1x16xf32> to vector<16xf32>
          %add3A_349 = arith.addf %add3A_319, %get3A_348 : vector<16xf32>
          scf.yield %add3A_328, %add3A_335, %add3A_342, %add3A_349 : vector<16xf32>, vector<16xf32>, vector<16xf32>, vector<16xf32>
        }
        %scan3A_216 = arith.constant 8 : i32
        %get3A = arith.index_cast %mul3A_209 : i32 to index
        %get3A_217 = tpu.vector_load %arg8[%get3A] {strides = array<i32>} : memref<768xf32, #tpu.memory_space<vmem>>, vector<16xf32>,
        %get3A_218 = vector.shape_cast %get3A_217 : vector<16xf32> to vector<16xf32>
        %add3A_219 = arith.addf %scan3A_215#0, %scan3A_215#1 : vector<16xf32>
        %add3A_220 = arith.addf %scan3A_215#2, %scan3A_215#3 : vector<16xf32>
        %add3A_221 = arith.addf %add3A_219, %add3A_220 : vector<16xf32>
        %add3A_222 = arith.addf %get3A_218, %add3A_221 : vector<16xf32>
        %swap3A = arith.index_cast %mul3A_209 : i32 to index
        %swap3A_223 = tpu.vector_load %arg8[%swap3A] {strides = array<i32>} : memref<768xf32, #tpu.memory_space<vmem>>, vector<16xf32>,
        %swap3A_224 = vector.shape_cast %swap3A_223 : vector<16xf32> to vector<16xf32>
        %swap3A_225 = vector.shape_cast %add3A_222 : vector<16xf32> to vector<16xf32>
        tpu.vector_store %arg8[%swap3A], %swap3A_225 {strides = array<i32>} : memref<768xf32, #tpu.memory_space<vmem>>, vector<16xf32>,
        %scan3A_226 = arith.constant 0 : i32
        scf.yield %scan3A_226 : i32
      }
      %scan3A_170 = arith.constant 48 : i32
      %add3A_171 = arith.constant 4 : i32
      %add3A_172 = arith.addi %add3A_154, %add3A_171 : i32
      %lt3A_173 = arith.constant 8 : i32
      %lt3A_174 = arith.cmpi slt, %add3A_172, %lt3A_173 : i32
      %convert_element_type3A_175 = arith.extui %lt3A_174 : i1 to i32
      %cond3A_176 = arith.constant 0 : i32
      %cond3A_177 = arith.cmpi ne, %convert_element_type3A_175, %cond3A_176 : i32
      scf.if %cond3A_177 {
        %add3A_206 = arith.constant 128 : i32
        %add3A_207 = arith.addi %add3A_157, %add3A_206 : i32
        %dma_start3A_208 = arith.constant 0 : i32
        %dma_start3A_209 = tpu.memref_slice %arg2[%add3A, %add3A_207, %dma_start3A_208] : memref<16x4096x768xf32, #tpu.memory_space<hbm>> -> memref<1x32x768xf32, #tpu.memory_space<hbm>>
        %dma_start3A_210 = tpu.memref_squeeze %dma_start3A_209 : memref<1x32x768xf32, #tpu.memory_space<hbm>> -> memref<32x768xf32, #tpu.memory_space<hbm>>
        %dma_start3A_211 = arith.constant 0 : i32
        %dma_start3A_212 = tpu.memref_slice %arg2[%add3A, %add3A_207, %dma_start3A_211] : memref<16x4096x768xf32, #tpu.memory_space<hbm>> -> memref<1x32x768xf32, #tpu.memory_space<hbm>>
        %dma_start3A_213 = tpu.memref_squeeze %dma_start3A_212 : memref<1x32x768xf32, #tpu.memory_space<hbm>> -> memref<32x768xf32, #tpu.memory_space<hbm>>
        tpu.enqueue_dma source(%dma_start3A_213 : memref<32x768xf32, #tpu.memory_space<hbm>>) target(%arg6 : memref<32x768xf32, #tpu.memory_space<vmem>>) target_semaphore(%arg13 : memref<!tpu.dma_semaphore, #tpu.memory_space<semaphore_mem>>)
      } else {
      }
      %mul3A_178 = arith.constant 4 : i32
      %mul3A_179 = arith.muli %mul3A_178, %scan3A_96 : i32
      %add3A_180 = arith.constant 3 : i32
      %add3A_181 = arith.addi %mul3A_179, %add3A_180 : i32
      %mul3A_182 = arith.constant 32 : i32
      %mul3A_183 = arith.muli %add3A_181, %mul3A_182 : i32
      %add3A_184 = arith.addi %mul3A_32, %mul3A_183 : i32
      %dma_wait3A_185 = arith.constant 0 : i32
      %dma_wait3A_186 = tpu.memref_slice %arg2[%add3A, %add3A_184, %dma_wait3A_185] : memref<16x4096x768xf32, #tpu.memory_space<hbm>> -> memref<1x32x768xf32, #tpu.memory_space<hbm>>
      %dma_wait3A_187 = tpu.memref_squeeze %dma_wait3A_186 : memref<1x32x768xf32, #tpu.memory_space<hbm>> -> memref<32x768xf32, #tpu.memory_space<hbm>>
      %dma_wait3A_188 = arith.constant 0 : i32
      %dma_wait3A_189 = tpu.memref_slice %arg2[%add3A, %add3A_184, %dma_wait3A_188] : memref<16x4096x768xf32, #tpu.memory_space<hbm>> -> memref<1x32x768xf32, #tpu.memory_space<hbm>>
      %dma_wait3A_190 = tpu.memref_squeeze %dma_wait3A_189 : memref<1x32x768xf32, #tpu.memory_space<hbm>> -> memref<32x768xf32, #tpu.memory_space<hbm>>
      tpu.wait_dma2 semaphore(%arg14 : memref<!tpu.dma_semaphore, #tpu.memory_space<semaphore_mem>>) src(%dma_wait3A_190 : memref<32x768xf32, #tpu.memory_space<hbm>>) dst(%arg7 : memref<32x768xf32, #tpu.memory_space<vmem>>)
      %scan3A_191 = arith.constant 0 : i32
      %scan3A_192 = arith.constant 0 : i32
      %scan3A_193 = arith.constant 48 : i32
      %scan3A_194 = arith.addi %scan3A_192, %scan3A_193 : i32
      %scan3A_195 = arith.constant 1 : i32
      %scan3A_196 = scf.for %scan3A_206 = %scan3A_192 to %scan3A_194 step %scan3A_195 iter_args(%scan3A_207 = %scan3A_191) -> (i32)  : i32 {
        %mul3A_208 = arith.constant 16 : i32
        %mul3A_209 = arith.muli %scan3A_206, %mul3A_208 : i32
        %broadcast_in_dim3A = arith.constant 0.000000e+00 : f32
        %broadcast_in_dim3A_210 = vector.broadcast %broadcast_in_dim3A : f32 to vector<16xf32>
        %scan3A_211 = arith.constant 0 : i32
        %scan3A_212 = arith.constant 8 : i32
        %scan3A_213 = arith.addi %scan3A_211, %scan3A_212 : i32
        %scan3A_214 = arith.constant 4 : i32
        %scan3A_215:4 = scf.for %scan3A_227 = %scan3A_211 to %scan3A_213 step %scan3A_214 iter_args(%scan3A_228 = %broadcast_in_dim3A_210, %scan3A_229 = %broadcast_in_dim3A_210, %scan3A_230 = %broadcast_in_dim3A_210, %scan3A_231 = %broadcast_in_dim3A_210) -> (vector<16xf32>, vector<16xf32>, vector<16xf32>, vector<16xf32>)  : i32 {
          %mul3A_232 = arith.constant 4 : i32
          %mul3A_233 = arith.muli %scan3A_227, %mul3A_232 : i32
          %get3A_234 = arith.index_cast %mul3A_233 : i32 to index
          %get3A_235 = arith.index_cast %mul3A_209 : i32 to index
          %get3A_236 = tpu.vector_load %arg7[%get3A_234, %get3A_235] {strides = array<i32>} : memref<32x768xf32, #tpu.memory_space<vmem>>, vector<1x16xf32>,
          %get3A_237 = vector.shape_cast %get3A_236 : vector<1x16xf32> to vector<16xf32>
          %add3A_238 = arith.addf %scan3A_228, %get3A_237 : vector<16xf32>
          %add3A_239 = arith.constant 1 : i32
          %add3A_240 = arith.addi %mul3A_233, %add3A_239 : i32
          %get3A_241 = arith.index_cast %add3A_240 : i32 to index
          %get3A_242 = arith.index_cast %mul3A_209 : i32 to index
          %get3A_243 = tpu.vector_load %arg7[%get3A_241, %get3A_242] {strides = array<i32>} : memref<32x768xf32, #tpu.memory_space<vmem>>, vector<1x16xf32>,
          %get3A_244 = vector.shape_cast %get3A_243 : vector<1x16xf32> to vector<16xf32>
          %add3A_245 = arith.addf %scan3A_229, %get3A_244 : vector<16xf32>
          %add3A_246 = arith.constant 2 : i32
          %add3A_247 = arith.addi %mul3A_233, %add3A_246 : i32
          %get3A_248 = arith.index_cast %add3A_247 : i32 to index
          %get3A_249 = arith.index_cast %mul3A_209 : i32 to index
          %get3A_250 = tpu.vector_load %arg7[%get3A_248, %get3A_249] {strides = array<i32>} : memref<32x768xf32, #tpu.memory_space<vmem>>, vector<1x16xf32>,
          %get3A_251 = vector.shape_cast %get3A_250 : vector<1x16xf32> to vector<16xf32>
          %add3A_252 = arith.addf %scan3A_230, %get3A_251 : vector<16xf32>
          %add3A_253 = arith.constant 3 : i32
          %add3A_254 = arith.addi %mul3A_233, %add3A_253 : i32
          %get3A_255 = arith.index_cast %add3A_254 : i32 to index
          %get3A_256 = arith.index_cast %mul3A_209 : i32 to index
          %get3A_257 = tpu.vector_load %arg7[%get3A_255, %get3A_256] {strides = array<i32>} : memref<32x768xf32, #tpu.memory_space<vmem>>, vector<1x16xf32>,
          %get3A_258 = vector.shape_cast %get3A_257 : vector<1x16xf32> to vector<16xf32>
          %add3A_259 = arith.addf %scan3A_231, %get3A_258 : vector<16xf32>
          %scan3A_260 = arith.constant 1 : i32
          %scan3A_261 = arith.addi %scan3A_227, %scan3A_260 : i32
          %mul3A_262 = arith.constant 4 : i32
          %mul3A_263 = arith.muli %scan3A_261, %mul3A_262 : i32
          %get3A_264 = arith.index_cast %mul3A_263 : i32 to index
          %get3A_265 = arith.index_cast %mul3A_209 : i32 to index
          %get3A_266 = tpu.vector_load %arg7[%get3A_264, %get3A_265] {strides = array<i32>} : memref<32x768xf32, #tpu.memory_space<vmem>>, vector<1x16xf32>,
          %get3A_267 = vector.shape_cast %get3A_266 : vector<1x16xf32> to vector<16xf32>
          %add3A_268 = arith.addf %add3A_238, %get3A_267 : vector<16xf32>
          %add3A_269 = arith.constant 1 : i32
          %add3A_270 = arith.addi %mul3A_263, %add3A_269 : i32
          %get3A_271 = arith.index_cast %add3A_270 : i32 to index
          %get3A_272 = arith.index_cast %mul3A_209 : i32 to index
          %get3A_273 = tpu.vector_load %arg7[%get3A_271, %get3A_272] {strides = array<i32>} : memref<32x768xf32, #tpu.memory_space<vmem>>, vector<1x16xf32>,
          %get3A_274 = vector.shape_cast %get3A_273 : vector<1x16xf32> to vector<16xf32>
          %add3A_275 = arith.addf %add3A_245, %get3A_274 : vector<16xf32>
          %add3A_276 = arith.constant 2 : i32
          %add3A_277 = arith.addi %mul3A_263, %add3A_276 : i32
          %get3A_278 = arith.index_cast %add3A_277 : i32 to index
          %get3A_279 = arith.index_cast %mul3A_209 : i32 to index
          %get3A_280 = tpu.vector_load %arg7[%get3A_278, %get3A_279] {strides = array<i32>} : memref<32x768xf32, #tpu.memory_space<vmem>>, vector<1x16xf32>,
          %get3A_281 = vector.shape_cast %get3A_280 : vector<1x16xf32> to vector<16xf32>
          %add3A_282 = arith.addf %add3A_252, %get3A_281 : vector<16xf32>
          %add3A_283 = arith.constant 3 : i32
          %add3A_284 = arith.addi %mul3A_263, %add3A_283 : i32
          %get3A_285 = arith.index_cast %add3A_284 : i32 to index
          %get3A_286 = arith.index_cast %mul3A_209 : i32 to index
          %get3A_287 = tpu.vector_load %arg7[%get3A_285, %get3A_286] {strides = array<i32>} : memref<32x768xf32, #tpu.memory_space<vmem>>, vector<1x16xf32>,
          %get3A_288 = vector.shape_cast %get3A_287 : vector<1x16xf32> to vector<16xf32>
          %add3A_289 = arith.addf %add3A_259, %get3A_288 : vector<16xf32>
          %scan3A_290 = arith.constant 2 : i32
          %scan3A_291 = arith.addi %scan3A_227, %scan3A_290 : i32
          %mul3A_292 = arith.constant 4 : i32
          %mul3A_293 = arith.muli %scan3A_291, %mul3A_292 : i32
          %get3A_294 = arith.index_cast %mul3A_293 : i32 to index
          %get3A_295 = arith.index_cast %mul3A_209 : i32 to index
          %get3A_296 = tpu.vector_load %arg7[%get3A_294, %get3A_295] {strides = array<i32>} : memref<32x768xf32, #tpu.memory_space<vmem>>, vector<1x16xf32>,
          %get3A_297 = vector.shape_cast %get3A_296 : vector<1x16xf32> to vector<16xf32>
          %add3A_298 = arith.addf %add3A_268, %get3A_297 : vector<16xf32>
          %add3A_299 = arith.constant 1 : i32
          %add3A_300 = arith.addi %mul3A_293, %add3A_299 : i32
          %get3A_301 = arith.index_cast %add3A_300 : i32 to index
          %get3A_302 = arith.index_cast %mul3A_209 : i32 to index
          %get3A_303 = tpu.vector_load %arg7[%get3A_301, %get3A_302] {strides = array<i32>} : memref<32x768xf32, #tpu.memory_space<vmem>>, vector<1x16xf32>,
          %get3A_304 = vector.shape_cast %get3A_303 : vector<1x16xf32> to vector<16xf32>
          %add3A_305 = arith.addf %add3A_275, %get3A_304 : vector<16xf32>
          %add3A_306 = arith.constant 2 : i32
          %add3A_307 = arith.addi %mul3A_293, %add3A_306 : i32
          %get3A_308 = arith.index_cast %add3A_307 : i32 to index
          %get3A_309 = arith.index_cast %mul3A_209 : i32 to index
          %get3A_310 = tpu.vector_load %arg7[%get3A_308, %get3A_309] {strides = array<i32>} : memref<32x768xf32, #tpu.memory_space<vmem>>, vector<1x16xf32>,
          %get3A_311 = vector.shape_cast %get3A_310 : vector<1x16xf32> to vector<16xf32>
          %add3A_312 = arith.addf %add3A_282, %get3A_311 : vector<16xf32>
          %add3A_313 = arith.constant 3 : i32
          %add3A_314 = arith.addi %mul3A_293, %add3A_313 : i32
          %get3A_315 = arith.index_cast %add3A_314 : i32 to index
          %get3A_316 = arith.index_cast %mul3A_209 : i32 to index
          %get3A_317 = tpu.vector_load %arg7[%get3A_315, %get3A_316] {strides = array<i32>} : memref<32x768xf32, #tpu.memory_space<vmem>>, vector<1x16xf32>,
          %get3A_318 = vector.shape_cast %get3A_317 : vector<1x16xf32> to vector<16xf32>
          %add3A_319 = arith.addf %add3A_289, %get3A_318 : vector<16xf32>
          %scan3A_320 = arith.constant 3 : i32
          %scan3A_321 = arith.addi %scan3A_227, %scan3A_320 : i32
          %mul3A_322 = arith.constant 4 : i32
          %mul3A_323 = arith.muli %scan3A_321, %mul3A_322 : i32
          %get3A_324 = arith.index_cast %mul3A_323 : i32 to index
          %get3A_325 = arith.index_cast %mul3A_209 : i32 to index
          %get3A_326 = tpu.vector_load %arg7[%get3A_324, %get3A_325] {strides = array<i32>} : memref<32x768xf32, #tpu.memory_space<vmem>>, vector<1x16xf32>,
          %get3A_327 = vector.shape_cast %get3A_326 : vector<1x16xf32> to vector<16xf32>
          %add3A_328 = arith.addf %add3A_298, %get3A_327 : vector<16xf32>
          %add3A_329 = arith.constant 1 : i32
          %add3A_330 = arith.addi %mul3A_323, %add3A_329 : i32
          %get3A_331 = arith.index_cast %add3A_330 : i32 to index
          %get3A_332 = arith.index_cast %mul3A_209 : i32 to index
          %get3A_333 = tpu.vector_load %arg7[%get3A_331, %get3A_332] {strides = array<i32>} : memref<32x768xf32, #tpu.memory_space<vmem>>, vector<1x16xf32>,
          %get3A_334 = vector.shape_cast %get3A_333 : vector<1x16xf32> to vector<16xf32>
          %add3A_335 = arith.addf %add3A_305, %get3A_334 : vector<16xf32>
          %add3A_336 = arith.constant 2 : i32
          %add3A_337 = arith.addi %mul3A_323, %add3A_336 : i32
          %get3A_338 = arith.index_cast %add3A_337 : i32 to index
          %get3A_339 = arith.index_cast %mul3A_209 : i32 to index
          %get3A_340 = tpu.vector_load %arg7[%get3A_338, %get3A_339] {strides = array<i32>} : memref<32x768xf32, #tpu.memory_space<vmem>>, vector<1x16xf32>,
          %get3A_341 = vector.shape_cast %get3A_340 : vector<1x16xf32> to vector<16xf32>
          %add3A_342 = arith.addf %add3A_312, %get3A_341 : vector<16xf32>
          %add3A_343 = arith.constant 3 : i32
          %add3A_344 = arith.addi %mul3A_323, %add3A_343 : i32
          %get3A_345 = arith.index_cast %add3A_344 : i32 to index
          %get3A_346 = arith.index_cast %mul3A_209 : i32 to index
          %get3A_347 = tpu.vector_load %arg7[%get3A_345, %get3A_346] {strides = array<i32>} : memref<32x768xf32, #tpu.memory_space<vmem>>, vector<1x16xf32>,
          %get3A_348 = vector.shape_cast %get3A_347 : vector<1x16xf32> to vector<16xf32>
          %add3A_349 = arith.addf %add3A_319, %get3A_348 : vector<16xf32>
          scf.yield %add3A_328, %add3A_335, %add3A_342, %add3A_349 : vector<16xf32>, vector<16xf32>, vector<16xf32>, vector<16xf32>
        }
        %scan3A_216 = arith.constant 8 : i32
        %get3A = arith.index_cast %mul3A_209 : i32 to index
        %get3A_217 = tpu.vector_load %arg8[%get3A] {strides = array<i32>} : memref<768xf32, #tpu.memory_space<vmem>>, vector<16xf32>,
        %get3A_218 = vector.shape_cast %get3A_217 : vector<16xf32> to vector<16xf32>
        %add3A_219 = arith.addf %scan3A_215#0, %scan3A_215#1 : vector<16xf32>
        %add3A_220 = arith.addf %scan3A_215#2, %scan3A_215#3 : vector<16xf32>
        %add3A_221 = arith.addf %add3A_219, %add3A_220 : vector<16xf32>
        %add3A_222 = arith.addf %get3A_218, %add3A_221 : vector<16xf32>
        %swap3A = arith.index_cast %mul3A_209 : i32 to index
        %swap3A_223 = tpu.vector_load %arg8[%swap3A] {strides = array<i32>} : memref<768xf32, #tpu.memory_space<vmem>>, vector<16xf32>,
        %swap3A_224 = vector.shape_cast %swap3A_223 : vector<16xf32> to vector<16xf32>
        %swap3A_225 = vector.shape_cast %add3A_222 : vector<16xf32> to vector<16xf32>
        tpu.vector_store %arg8[%swap3A], %swap3A_225 {strides = array<i32>} : memref<768xf32, #tpu.memory_space<vmem>>, vector<16xf32>,
        %scan3A_226 = arith.constant 0 : i32
        scf.yield %scan3A_226 : i32
      }
      %scan3A_197 = arith.constant 48 : i32
      %add3A_198 = arith.constant 4 : i32
      %add3A_199 = arith.addi %add3A_181, %add3A_198 : i32
      %lt3A_200 = arith.constant 8 : i32
      %lt3A_201 = arith.cmpi slt, %add3A_199, %lt3A_200 : i32
      %convert_element_type3A_202 = arith.extui %lt3A_201 : i1 to i32
      %cond3A_203 = arith.constant 0 : i32
      %cond3A_204 = arith.cmpi ne, %convert_element_type3A_202, %cond3A_203 : i32
      scf.if %cond3A_204 {
        %add3A_206 = arith.constant 128 : i32
        %add3A_207 = arith.addi %add3A_184, %add3A_206 : i32
        %dma_start3A_208 = arith.constant 0 : i32
        %dma_start3A_209 = tpu.memref_slice %arg2[%add3A, %add3A_207, %dma_start3A_208] : memref<16x4096x768xf32, #tpu.memory_space<hbm>> -> memref<1x32x768xf32, #tpu.memory_space<hbm>>
        %dma_start3A_210 = tpu.memref_squeeze %dma_start3A_209 : memref<1x32x768xf32, #tpu.memory_space<hbm>> -> memref<32x768xf32, #tpu.memory_space<hbm>>
        %dma_start3A_211 = arith.constant 0 : i32
        %dma_start3A_212 = tpu.memref_slice %arg2[%add3A, %add3A_207, %dma_start3A_211] : memref<16x4096x768xf32, #tpu.memory_space<hbm>> -> memref<1x32x768xf32, #tpu.memory_space<hbm>>
        %dma_start3A_213 = tpu.memref_squeeze %dma_start3A_212 : memref<1x32x768xf32, #tpu.memory_space<hbm>> -> memref<32x768xf32, #tpu.memory_space<hbm>>
        tpu.enqueue_dma source(%dma_start3A_213 : memref<32x768xf32, #tpu.memory_space<hbm>>) target(%arg7 : memref<32x768xf32, #tpu.memory_space<vmem>>) target_semaphore(%arg14 : memref<!tpu.dma_semaphore, #tpu.memory_space<semaphore_mem>>)
      } else {
      }
      %scan3A_205 = arith.constant 0 : i32
      scf.yield %scan3A_205 : i32
    }
    %scan3A_76 = arith.constant 2 : i32
    "tpu.region"() ({
      %run_scoped3A = tpu.sem_alloc : memref<!tpu.dma_semaphore, #tpu.memory_space<semaphore_mem>>
      %dma_start3A_96 = arith.constant 0 : i32
      %dma_start3A_97 = tpu.memref_slice %arg10[%arg1, %dma_start3A_96] : memref<16x768xf32, #tpu.memory_space<vmem_shared>> -> memref<1x768xf32, #tpu.memory_space<vmem_shared>>
      %dma_start3A_98 = tpu.memref_squeeze %dma_start3A_97 : memref<1x768xf32, #tpu.memory_space<vmem_shared>> -> memref<768xf32, #tpu.memory_space<vmem_shared>>
      %dma_start3A_99 = arith.constant 0 : i32
      %dma_start3A_100 = tpu.memref_slice %arg10[%arg1, %dma_start3A_99] : memref<16x768xf32, #tpu.memory_space<vmem_shared>> -> memref<1x768xf32, #tpu.memory_space<vmem_shared>>
      %dma_start3A_101 = tpu.memref_squeeze %dma_start3A_100 : memref<1x768xf32, #tpu.memory_space<vmem_shared>> -> memref<768xf32, #tpu.memory_space<vmem_shared>>
      tpu.enqueue_dma source(%arg8 : memref<768xf32, #tpu.memory_space<vmem>>) target(%dma_start3A_101 : memref<768xf32, #tpu.memory_space<vmem_shared>>) target_semaphore(%run_scoped3A : memref<!tpu.dma_semaphore, #tpu.memory_space<semaphore_mem>>)
      %dma_wait3A = arith.constant 0 : i32
      %dma_wait3A_102 = tpu.memref_slice %arg10[%arg1, %dma_wait3A] : memref<16x768xf32, #tpu.memory_space<vmem_shared>> -> memref<1x768xf32, #tpu.memory_space<vmem_shared>>
      %dma_wait3A_103 = tpu.memref_squeeze %dma_wait3A_102 : memref<1x768xf32, #tpu.memory_space<vmem_shared>> -> memref<768xf32, #tpu.memory_space<vmem_shared>>
      %dma_wait3A_104 = arith.constant 0 : i32
      %dma_wait3A_105 = tpu.memref_slice %arg10[%arg1, %dma_wait3A_104] : memref<16x768xf32, #tpu.memory_space<vmem_shared>> -> memref<1x768xf32, #tpu.memory_space<vmem_shared>>
      %dma_wait3A_106 = tpu.memref_squeeze %dma_wait3A_105 : memref<1x768xf32, #tpu.memory_space<vmem_shared>> -> memref<768xf32, #tpu.memory_space<vmem_shared>>
      tpu.wait_dma2 semaphore(%run_scoped3A : memref<!tpu.dma_semaphore, #tpu.memory_space<semaphore_mem>>) src(%arg8 : memref<768xf32, #tpu.memory_space<vmem>>) dst(%dma_wait3A_106 : memref<768xf32, #tpu.memory_space<vmem_shared>>)
      tpu.yield
    }) : () -> ()
    %barrier3A = arith.constant 0 : index
    tpu.barrier barrier_id(%barrier3A)
    %jit3A_77 = arith.constant 16 : i32
    %eq3A_78 = arith.constant 0 : i32
    %eq3A_79 = arith.cmpi eq, %jit3A_77, %eq3A_78 : i32
    %jit3A_80 = arith.constant 1 : i32
    %select_n3A_81 = arith.select %eq3A_79, %jit3A_80, %jit3A_77 : i32
    %rem3A_82 = arith.remsi %arg1, %select_n3A_81 : i32
    %ne3A_83 = arith.constant 0 : i32
    %ne3A_84 = arith.cmpi ne, %rem3A_82, %ne3A_83 : i32
    %lt3A_85 = arith.constant 0 : i32
    %lt3A_86 = arith.cmpi slt, %rem3A_82, %lt3A_85 : i32
    %lt3A_87 = arith.constant 0 : i32
    %lt3A_88 = arith.cmpi slt, %select_n3A_81, %lt3A_87 : i32
    %ne3A_89 = arith.xori %lt3A_86, %lt3A_88 : i1
    %and3A_90 = arith.andi %ne3A_89, %ne3A_84 : i1
    %add3A_91 = arith.addi %rem3A_82, %select_n3A_81 : i32
    %select_n3A_92 = arith.select %and3A_90, %add3A_91, %rem3A_82 : i32
    %eq3A_93 = arith.constant 0 : i32
    %eq3A_94 = arith.cmpi eq, %select_n3A_92, %eq3A_93 : i32
    %convert_element_type3A = arith.extui %eq3A_94 : i1 to i32
    %cond3A = arith.constant 0 : i32
    %cond3A_95 = arith.cmpi ne, %convert_element_type3A, %cond3A : i32
    scf.if %cond3A_95 {
      %multiple_of3A = tpu.assume_multiple %arg1, 16 : i32
      "tpu.region"() ({
        %run_scoped3A_103 = tpu.sem_alloc : memref<!tpu.dma_semaphore, #tpu.memory_space<semaphore_mem>>
        %dma_start3A_104 = arith.constant 0 : i32
        %dma_start3A_105 = tpu.memref_slice %arg10[%multiple_of3A, %dma_start3A_104] : memref<16x768xf32, #tpu.memory_space<vmem_shared>> -> memref<16x768xf32, #tpu.memory_space<vmem_shared>>
        %dma_start3A_106 = arith.constant 0 : i32
        %dma_start3A_107 = tpu.memref_slice %arg10[%multiple_of3A, %dma_start3A_106] : memref<16x768xf32, #tpu.memory_space<vmem_shared>> -> memref<16x768xf32, #tpu.memory_space<vmem_shared>>
        tpu.enqueue_dma source(%dma_start3A_107 : memref<16x768xf32, #tpu.memory_space<vmem_shared>>) target(%arg9 : memref<16x768xf32, #tpu.memory_space<vmem>>) target_semaphore(%run_scoped3A_103 : memref<!tpu.dma_semaphore, #tpu.memory_space<semaphore_mem>>)
        %dma_wait3A = arith.constant 0 : i32
        %dma_wait3A_108 = tpu.memref_slice %arg10[%multiple_of3A, %dma_wait3A] : memref<16x768xf32, #tpu.memory_space<vmem_shared>> -> memref<16x768xf32, #tpu.memory_space<vmem_shared>>
        %dma_wait3A_109 = arith.constant 0 : i32
        %dma_wait3A_110 = tpu.memref_slice %arg10[%multiple_of3A, %dma_wait3A_109] : memref<16x768xf32, #tpu.memory_space<vmem_shared>> -> memref<16x768xf32, #tpu.memory_space<vmem_shared>>
        tpu.wait_dma2 semaphore(%run_scoped3A_103 : memref<!tpu.dma_semaphore, #tpu.memory_space<semaphore_mem>>) src(%dma_wait3A_110 : memref<16x768xf32, #tpu.memory_space<vmem_shared>>) dst(%arg9 : memref<16x768xf32, #tpu.memory_space<vmem>>)
        tpu.yield
      }) : () -> ()
      %scan3A_96 = arith.constant 0 : i32
      %scan3A_97 = arith.constant 0 : i32
      %scan3A_98 = arith.constant 48 : i32
      %scan3A_99 = arith.addi %scan3A_97, %scan3A_98 : i32
      %scan3A_100 = arith.constant 1 : i32
      %scan3A_101 = scf.for %scan3A_103 = %scan3A_97 to %scan3A_99 step %scan3A_100 iter_args(%scan3A_104 = %scan3A_96) -> (i32)  : i32 {
        %mul3A_105 = arith.constant 16 : i32
        %mul3A_106 = arith.muli %scan3A_103, %mul3A_105 : i32
        %get3A = arith.constant 0 : i32
        %get3A_107 = arith.index_cast %get3A : i32 to index
        %get3A_108 = arith.index_cast %mul3A_106 : i32 to index
        %get3A_109 = tpu.vector_load %arg9[%get3A_107, %get3A_108] {strides = array<i32>} : memref<16x768xf32, #tpu.memory_space<vmem>>, vector<1x16xf32>,
        %get3A_110 = vector.shape_cast %get3A_109 : vector<1x16xf32> to vector<16xf32>
        %get3A_111 = arith.constant 1 : i32
        %get3A_112 = arith.index_cast %get3A_111 : i32 to index
        %get3A_113 = arith.index_cast %mul3A_106 : i32 to index
        %get3A_114 = tpu.vector_load %arg9[%get3A_112, %get3A_113] {strides = array<i32>} : memref<16x768xf32, #tpu.memory_space<vmem>>, vector<1x16xf32>,
        %get3A_115 = vector.shape_cast %get3A_114 : vector<1x16xf32> to vector<16xf32>
        %add3A_116 = arith.addf %get3A_110, %get3A_115 : vector<16xf32>
        %get3A_117 = arith.constant 2 : i32
        %get3A_118 = arith.index_cast %get3A_117 : i32 to index
        %get3A_119 = arith.index_cast %mul3A_106 : i32 to index
        %get3A_120 = tpu.vector_load %arg9[%get3A_118, %get3A_119] {strides = array<i32>} : memref<16x768xf32, #tpu.memory_space<vmem>>, vector<1x16xf32>,
        %get3A_121 = vector.shape_cast %get3A_120 : vector<1x16xf32> to vector<16xf32>
        %add3A_122 = arith.addf %add3A_116, %get3A_121 : vector<16xf32>
        %get3A_123 = arith.constant 3 : i32
        %get3A_124 = arith.index_cast %get3A_123 : i32 to index
        %get3A_125 = arith.index_cast %mul3A_106 : i32 to index
        %get3A_126 = tpu.vector_load %arg9[%get3A_124, %get3A_125] {strides = array<i32>} : memref<16x768xf32, #tpu.memory_space<vmem>>, vector<1x16xf32>,
        %get3A_127 = vector.shape_cast %get3A_126 : vector<1x16xf32> to vector<16xf32>
        %add3A_128 = arith.addf %add3A_122, %get3A_127 : vector<16xf32>
        %get3A_129 = arith.constant 4 : i32
        %get3A_130 = arith.index_cast %get3A_129 : i32 to index
        %get3A_131 = arith.index_cast %mul3A_106 : i32 to index
        %get3A_132 = tpu.vector_load %arg9[%get3A_130, %get3A_131] {strides = array<i32>} : memref<16x768xf32, #tpu.memory_space<vmem>>, vector<1x16xf32>,
        %get3A_133 = vector.shape_cast %get3A_132 : vector<1x16xf32> to vector<16xf32>
        %add3A_134 = arith.addf %add3A_128, %get3A_133 : vector<16xf32>
        %get3A_135 = arith.constant 5 : i32
        %get3A_136 = arith.index_cast %get3A_135 : i32 to index
        %get3A_137 = arith.index_cast %mul3A_106 : i32 to index
        %get3A_138 = tpu.vector_load %arg9[%get3A_136, %get3A_137] {strides = array<i32>} : memref<16x768xf32, #tpu.memory_space<vmem>>, vector<1x16xf32>,
        %get3A_139 = vector.shape_cast %get3A_138 : vector<1x16xf32> to vector<16xf32>
        %add3A_140 = arith.addf %add3A_134, %get3A_139 : vector<16xf32>
        %get3A_141 = arith.constant 6 : i32
        %get3A_142 = arith.index_cast %get3A_141 : i32 to index
        %get3A_143 = arith.index_cast %mul3A_106 : i32 to index
        %get3A_144 = tpu.vector_load %arg9[%get3A_142, %get3A_143] {strides = array<i32>} : memref<16x768xf32, #tpu.memory_space<vmem>>, vector<1x16xf32>,
        %get3A_145 = vector.shape_cast %get3A_144 : vector<1x16xf32> to vector<16xf32>
        %add3A_146 = arith.addf %add3A_140, %get3A_145 : vector<16xf32>
        %get3A_147 = arith.constant 7 : i32
        %get3A_148 = arith.index_cast %get3A_147 : i32 to index
        %get3A_149 = arith.index_cast %mul3A_106 : i32 to index
        %get3A_150 = tpu.vector_load %arg9[%get3A_148, %get3A_149] {strides = array<i32>} : memref<16x768xf32, #tpu.memory_space<vmem>>, vector<1x16xf32>,
        %get3A_151 = vector.shape_cast %get3A_150 : vector<1x16xf32> to vector<16xf32>
        %add3A_152 = arith.addf %add3A_146, %get3A_151 : vector<16xf32>
        %get3A_153 = arith.constant 8 : i32
        %get3A_154 = arith.index_cast %get3A_153 : i32 to index
        %get3A_155 = arith.index_cast %mul3A_106 : i32 to index
        %get3A_156 = tpu.vector_load %arg9[%get3A_154, %get3A_155] {strides = array<i32>} : memref<16x768xf32, #tpu.memory_space<vmem>>, vector<1x16xf32>,
        %get3A_157 = vector.shape_cast %get3A_156 : vector<1x16xf32> to vector<16xf32>
        %add3A_158 = arith.addf %add3A_152, %get3A_157 : vector<16xf32>
        %get3A_159 = arith.constant 9 : i32
        %get3A_160 = arith.index_cast %get3A_159 : i32 to index
        %get3A_161 = arith.index_cast %mul3A_106 : i32 to index
        %get3A_162 = tpu.vector_load %arg9[%get3A_160, %get3A_161] {strides = array<i32>} : memref<16x768xf32, #tpu.memory_space<vmem>>, vector<1x16xf32>,
        %get3A_163 = vector.shape_cast %get3A_162 : vector<1x16xf32> to vector<16xf32>
        %add3A_164 = arith.addf %add3A_158, %get3A_163 : vector<16xf32>
        %get3A_165 = arith.constant 10 : i32
        %get3A_166 = arith.index_cast %get3A_165 : i32 to index
        %get3A_167 = arith.index_cast %mul3A_106 : i32 to index
        %get3A_168 = tpu.vector_load %arg9[%get3A_166, %get3A_167] {strides = array<i32>} : memref<16x768xf32, #tpu.memory_space<vmem>>, vector<1x16xf32>,
        %get3A_169 = vector.shape_cast %get3A_168 : vector<1x16xf32> to vector<16xf32>
        %add3A_170 = arith.addf %add3A_164, %get3A_169 : vector<16xf32>
        %get3A_171 = arith.constant 11 : i32
        %get3A_172 = arith.index_cast %get3A_171 : i32 to index
        %get3A_173 = arith.index_cast %mul3A_106 : i32 to index
        %get3A_174 = tpu.vector_load %arg9[%get3A_172, %get3A_173] {strides = array<i32>} : memref<16x768xf32, #tpu.memory_space<vmem>>, vector<1x16xf32>,
        %get3A_175 = vector.shape_cast %get3A_174 : vector<1x16xf32> to vector<16xf32>
        %add3A_176 = arith.addf %add3A_170, %get3A_175 : vector<16xf32>
        %get3A_177 = arith.constant 12 : i32
        %get3A_178 = arith.index_cast %get3A_177 : i32 to index
        %get3A_179 = arith.index_cast %mul3A_106 : i32 to index
        %get3A_180 = tpu.vector_load %arg9[%get3A_178, %get3A_179] {strides = array<i32>} : memref<16x768xf32, #tpu.memory_space<vmem>>, vector<1x16xf32>,
        %get3A_181 = vector.shape_cast %get3A_180 : vector<1x16xf32> to vector<16xf32>
        %add3A_182 = arith.addf %add3A_176, %get3A_181 : vector<16xf32>
        %get3A_183 = arith.constant 13 : i32
        %get3A_184 = arith.index_cast %get3A_183 : i32 to index
        %get3A_185 = arith.index_cast %mul3A_106 : i32 to index
        %get3A_186 = tpu.vector_load %arg9[%get3A_184, %get3A_185] {strides = array<i32>} : memref<16x768xf32, #tpu.memory_space<vmem>>, vector<1x16xf32>,
        %get3A_187 = vector.shape_cast %get3A_186 : vector<1x16xf32> to vector<16xf32>
        %add3A_188 = arith.addf %add3A_182, %get3A_187 : vector<16xf32>
        %get3A_189 = arith.constant 14 : i32
        %get3A_190 = arith.index_cast %get3A_189 : i32 to index
        %get3A_191 = arith.index_cast %mul3A_106 : i32 to index
        %get3A_192 = tpu.vector_load %arg9[%get3A_190, %get3A_191] {strides = array<i32>} : memref<16x768xf32, #tpu.memory_space<vmem>>, vector<1x16xf32>,
        %get3A_193 = vector.shape_cast %get3A_192 : vector<1x16xf32> to vector<16xf32>
        %add3A_194 = arith.addf %add3A_188, %get3A_193 : vector<16xf32>
        %get3A_195 = arith.constant 15 : i32
        %get3A_196 = arith.index_cast %get3A_195 : i32 to index
        %get3A_197 = arith.index_cast %mul3A_106 : i32 to index
        %get3A_198 = tpu.vector_load %arg9[%get3A_196, %get3A_197] {strides = array<i32>} : memref<16x768xf32, #tpu.memory_space<vmem>>, vector<1x16xf32>,
        %get3A_199 = vector.shape_cast %get3A_198 : vector<1x16xf32> to vector<16xf32>
        %add3A_200 = arith.addf %add3A_194, %get3A_199 : vector<16xf32>
        %mul3A_201 = arith.constant 2.44140625E-4 : f32
        %mul3A_202 = vector.broadcast %mul3A_201 : f32 to vector<16xf32>
        %mul3A_203 = arith.mulf %add3A_200, %mul3A_202 : vector<16xf32>
        %swap3A = arith.index_cast %mul3A_106 : i32 to index
        %swap3A_204 = tpu.vector_load %arg8[%swap3A] {strides = array<i32>} : memref<768xf32, #tpu.memory_space<vmem>>, vector<16xf32>,
        %swap3A_205 = vector.shape_cast %swap3A_204 : vector<16xf32> to vector<16xf32>
        %swap3A_206 = vector.shape_cast %mul3A_203 : vector<16xf32> to vector<16xf32>
        tpu.vector_store %arg8[%swap3A], %swap3A_206 {strides = array<i32>} : memref<768xf32, #tpu.memory_space<vmem>>, vector<16xf32>,
        %scan3A_207 = arith.constant 0 : i32
        scf.yield %scan3A_207 : i32
      }
      %scan3A_102 = arith.constant 48 : i32
      %run_scoped3A = arith.constant 0 : i32
      "tpu.region"() ({
        %run_scoped3A_103 = tpu.sem_alloc : memref<!tpu.dma_semaphore, #tpu.memory_space<semaphore_mem>>
        %dma_start3A_104 = arith.constant 0 : i32
        %dma_start3A_105 = tpu.memref_slice %arg3[%add3A, %run_scoped3A, %dma_start3A_104] : memref<2x1x768xf32, #tpu.memory_space<hbm>> -> memref<1x1x768xf32, #tpu.memory_space<hbm>>
        %dma_start3A_106 = tpu.memref_squeeze %dma_start3A_105 : memref<1x1x768xf32, #tpu.memory_space<hbm>> -> memref<768xf32, #tpu.memory_space<hbm>>
        %dma_start3A_107 = arith.constant 0 : i32
        %dma_start3A_108 = tpu.memref_slice %arg3[%add3A, %run_scoped3A, %dma_start3A_107] : memref<2x1x768xf32, #tpu.memory_space<hbm>> -> memref<1x1x768xf32, #tpu.memory_space<hbm>>
        %dma_start3A_109 = tpu.memref_squeeze %dma_start3A_108 : memref<1x1x768xf32, #tpu.memory_space<hbm>> -> memref<768xf32, #tpu.memory_space<hbm>>
        tpu.enqueue_dma source(%arg8 : memref<768xf32, #tpu.memory_space<vmem>>) target(%dma_start3A_109 : memref<768xf32, #tpu.memory_space<hbm>>) target_semaphore(%run_scoped3A_103 : memref<!tpu.dma_semaphore, #tpu.memory_space<semaphore_mem>>)
        %dma_wait3A = arith.constant 0 : i32
        %dma_wait3A_110 = tpu.memref_slice %arg3[%add3A, %run_scoped3A, %dma_wait3A] : memref<2x1x768xf32, #tpu.memory_space<hbm>> -> memref<1x1x768xf32, #tpu.memory_space<hbm>>
        %dma_wait3A_111 = tpu.memref_squeeze %dma_wait3A_110 : memref<1x1x768xf32, #tpu.memory_space<hbm>> -> memref<768xf32, #tpu.memory_space<hbm>>
        %dma_wait3A_112 = arith.constant 0 : i32
        %dma_wait3A_113 = tpu.memref_slice %arg3[%add3A, %run_scoped3A, %dma_wait3A_112] : memref<2x1x768xf32, #tpu.memory_space<hbm>> -> memref<1x1x768xf32, #tpu.memory_space<hbm>>
        %dma_wait3A_114 = tpu.memref_squeeze %dma_wait3A_113 : memref<1x1x768xf32, #tpu.memory_space<hbm>> -> memref<768xf32, #tpu.memory_space<hbm>>
        tpu.wait_dma2 semaphore(%run_scoped3A_103 : memref<!tpu.dma_semaphore, #tpu.memory_space<semaphore_mem>>) src(%arg8 : memref<768xf32, #tpu.memory_space<vmem>>) dst(%dma_wait3A_114 : memref<768xf32, #tpu.memory_space<hbm>>)
        tpu.yield
      }) : () -> ()
    } else {
    }
    return
  }
}

module attributes {stable_mosaic.version = 14 : i64} {
  func.func @_tc_body(%arg0: i32, %arg1: memref<1x4096x768xf32, #tpu.memory_space<vmem>>, %arg2: memref<1x1x768xf32, #tpu.memory_space<vmem>>) attributes {dimension_semantics = [#tpu.dimension_semantics<arbitrary>], iteration_bounds = array<i64: 14>, scalar_prefetch = 0 : i64, scratch_operands = 0 : i64, tpu.core_type = #tpu.core_type<tc>, window_params = [{transform_indices = @transform_0, window_bounds = array<i64: 1, 4096, 768>}, {transform_indices = @transform_1, window_bounds = array<i64: 1, 1, 768>}]} {
    %get3A = arith.constant 0 : index
    %get3A_0 = arith.constant 0 : index
    %get3A_1 = arith.constant 0 : index
    %get3A_2 = vector.load %arg1[%get3A, %get3A_0, %get3A_1] : memref<1x4096x768xf32, #tpu.memory_space<vmem>>, vector<1x4096x768xf32>
    %reduce_sum3A = arith.constant dense<0.000000e+00> : vector<1x768xf32>
    %reduce_sum3A_3 = vector.multi_reduction <add>, %get3A_2, %reduce_sum3A [1] : vector<1x4096x768xf32> to vector<1x768xf32>
    %broadcast_in_dim3A = vector.shape_cast %reduce_sum3A_3 : vector<1x768xf32> to vector<1x1x768xf32>
    %mul3A = arith.constant 2.44140625E-4 : f32
    %mul3A_4 = vector.broadcast %mul3A : f32 to vector<1x1x768xf32>
    %mul3A_5 = arith.mulf %broadcast_in_dim3A, %mul3A_4 : vector<1x1x768xf32>
    %swap3A = arith.constant 0 : index
    %swap3A_6 = arith.constant 0 : index
    %swap3A_7 = arith.constant 0 : index
    %swap3A_8 = vector.load %arg2[%swap3A, %swap3A_6, %swap3A_7] : memref<1x1x768xf32, #tpu.memory_space<vmem>>, vector<1x1x768xf32>
    tpu.vector_store %arg2[%swap3A, %swap3A_6, %swap3A_7], %mul3A_5 {strides = array<i32>} : memref<1x1x768xf32, #tpu.memory_space<vmem>>, vector<1x1x768xf32>,
    return
  }
  func.func @transform_0(%arg0: i32) -> (i32, i32, i32) {
    %add3A = arith.constant 2 : i32
    %add3A_0 = arith.addi %arg0, %add3A : i32
    %c0_i32 = arith.constant 0 : i32
    %c0_i32_1 = arith.constant 0 : i32
    %c0_i32_2 = arith.constant 0 : i32
    return %add3A_0, %c0_i32, %c0_i32_1 : i32, i32, i32
  }
  func.func @transform_1(%arg0: i32) -> (i32, i32, i32) {
    %c0_i32 = arith.constant 0 : i32
    %c0_i32_0 = arith.constant 0 : i32
    %c0_i32_1 = arith.constant 0 : i32
    return %arg0, %c0_i32, %c0_i32_0 : i32, i32, i32
  }
}

</mosaic_0001>

<sc_bundles>
// kernel: kernel.4.cloned.1.call-start
scs
__scs_entry_jumppad:
0x0: {  	(pc) =	sbr.rel $0x88, $3  }
0x1: {  	(tag) =	ssettag $0x0;
	lr =	simm.s32 $0x1  }
0x2: {  	[smem:$0x3FA0] =	sst lr;
	_ =	strace $0xD0000000  }
0x3: {  	_ = 	snop  }
0x4: {  	_ = 	snop  }
0x5: {  	_ = 	snop  }
0x6: {  	_ = 	snop  }
0x7: {  	_ = 	snop  }
__scs_overlays_trampoline_lowered:
0x8: {  	[smem:$0x3FAF] =	sst s0  }
0x9: {  	[smem:$0x3FB0] =	sst s1  }
0xa: {  	[smem:$0x3FB1] =	sst s2  }
0xb: {  	[smem:$0x3FB2] =	sst s3  }
0xc: {  	[smem:$0x3FB3] =	sst s4  }
0xd: {  	[smem:$0x3FB4] =	sst s5  }
0xe: {  	[smem:$0x3FB5] =	sst s6  }
0xf: {  	[smem:$0x3FB6] =	sst s7  }
0x10: {  	[smem:$0x3FB7] =	sst s8  }
0x11: {  	[smem:$0x3FB8] =	sst s9;
	s0 =	simm.s32 @!p0 $0x0  }
0x12: {  	s1 =	sld [smem:$0x3F9E];
	s0 =	simm.s32 @p0 $0x1  }
0x13: {  	[smem:$0x3FB9] =	sst s0;
	s0 =	simm.s32 @!p1 $0x0  }
0x14: {  	s2 =	sld [smem:$0x3F9D];
	s0 =	simm.s32 @p1 $0x1  }
0x15: {  	[smem:$0x3FBA] =	sst s0;
	s0 =	simm.s32 @!p2 $0x0  }
0x16: {  	s3 =	sld [smem:$0x3FDB];
	s0 =	simm.s32 @p2 $0x1  }
0x17: {  	s4 =	simm.s32 $0x1BF5;
	[smem:$0x3FBC] =	sst s0  }
0x18: {  	s0 =	sld [smem:$0x3F9F];
	_ =	swait.ge [sflag:s4], $0x0  }
0x19: {  	s7 =	sld [smem:$0x3FA0]  }
0x1a: {  	s8 =	sadd.s32 $0xFFFFE003, lr  }
0x1b: {  	s9 =	sadd.s32 $0xFFFFFEF7, lr;
	s5 =	simm.s32 $0xFFFFFFFF;
	p2 =	slt.u32 s8, $0xFFFFF086  }
0x1c: {  	p1 =	slt.u32 s9, $0xF7A;
	s5 =	simm.s32 @!p2 $0x0  }
0x1d: {  	s5 =	simm.s32 @p1 $0x1;
	p0 =	seq.s32 s7, s2  }
0x1e: {  	s7 =	smul.u32 @!p0 $0xF7A, s2;
	p2 =	seq.s32 @!p0 s5, $0x0  }
0x1f: {  	s9 =	smul.u32 $0xF7A, s1;
	s8 =	simm.s32 @!p0 $0x1BF5;
	p2 =	por !p2, p0  }
0x20: {  	[sflag:s8] =	ssyncset.s32 @!p0 $0xFFFFF086;
	s6 =	sadd.s32 @!p0 s3, s7;
	s7 =	simm.s32 @!p0 $0x108  }
0x21: {  	s3 =	sadd.s32 s3, s9;
	s6 =	sadd.s32 @!p0 $0x88, s6;
	s7 =	simm.s32 @p2 $0x1082  }
0x22: {  	[simem:s7], [sflag:s8] =	dma.local @!p0 [hbm:s6], $0xF7A  }
0x23: {  	s9 =	sor.u32 $0xD0000000, s2;
	s6 =	simm.s32 $0x108;
	_ =	swait.ge @!p0 [sflag:s8], $0x0  }
0x24: {  	s3 =	sadd.s32 $0x88, s3;
	s6 =	simm.s32 @!p1 $0x1082;
	[sflag:s4] =	ssyncset.s32 $0xFFFFF086  }
0x25: {  	[simem:s6], [sflag:s4] =	dma.local [hbm:s3], $0xF7A  }
0x26: {  	[smem:$0x3FA0] =	sst s1;
	(tag) =	ssettag s2;
	_ =	strace s9  }
0x27: {  	s1 =	sld [smem:$0x3FB0]  }
0x28: {  	s2 =	sld [smem:$0x3FB1]  }
0x29: {  	s4 =	sld [smem:$0x3FB3]  }
0x2a: {  	p0 =	seq.s32 s5, $0x0;
	s5 =	sld [smem:$0x3FB4]  }
0x2b: {  	s6 =	sld [smem:$0x3FB5]  }
0x2c: {  	s7 =	sld [smem:$0x3FB6]  }
0x2d: {  	s3 =	simm.s32 $0x108;
	s8 =	sld [smem:$0x3FB7]  }
0x2e: {  	s3 =	simm.s32 @!p0 $0x1082;
	s9 =	sld [smem:$0x3FB8]  }
0x2f: {  	lr =	sadd.s32 s0, s3;
	s0 =	sld [smem:$0x3FAF]  }
0x30: {  	s3 =	sld [smem:$0x3FB2]  }
0x31: {  	[smem:$0x3FBB] =	sst s10  }
0x32: {  	s10 =	sld [smem:$0x3FB9];
	_ =	sdelay $0x3  }
0x33: {  	p0 =	seq.s32 s10, $0x1;
	s10 =	sld [smem:$0x3FBB];
	_ =	sdelay $0x3  }
0x34: {  	[smem:$0x3FBB] =	sst s10  }
0x35: {  	s10 =	sld [smem:$0x3FBA];
	_ =	sdelay $0x3  }
0x36: {  	p1 =	seq.s32 s10, $0x1;
	s10 =	sld [smem:$0x3FBB];
	_ =	sdelay $0x3  }
0x37: {  	[smem:$0x3FBB] =	sst s10  }
0x38: {  	s10 =	sld [smem:$0x3FBC]  }
0x39: {  	_ = 	snop;
	(pc) =	sbr.ind lr, $3  }
0x3a: {  	_ = 	snop  }
0x3b: {  	_ = 	snop  }
0x3c: {  	p2 =	seq.s32 s10, $0x1;
	s10 =	sld [smem:$0x3FBB]  }
0x3d: {  	_ =	shalt  }
0x3e: {  	_ =	shalt  }
0x3f: {  	_ =	shalt  }
0x40: {  	_ =	shalt  }
0x41: {  	_ =	shalt  }
0x42: {  	_ =	shalt  }
0x43: {  	_ =	shalt  }
0x44: {  	_ =	shalt  }
0x45: {  	_ =	shalt  }
0x46: {  	_ =	shalt  }
0x47: {  	_ =	shalt  }
0x48: {  	_ =	shalt  }
0x49: {  	_ =	shalt  }
0x4a: {  	_ =	shalt  }
0x4b: {  	_ =	shalt  }
0x4c: {  	_ =	shalt  }
0x4d: {  	_ =	shalt  }
0x4e: {  	_ =	shalt  }
0x4f: {  	_ =	shalt  }
0x50: {  	_ =	shalt  }
0x51: {  	_ =	shalt  }
0x52: {  	_ =	shalt  }
0x53: {  	_ =	shalt  }
0x54: {  	_ =	shalt  }
0x55: {  	_ =	shalt  }
0x56: {  	_ =	shalt  }
0x57: {  	_ =	shalt  }
0x58: {  	_ =	shalt  }
0x59: {  	_ =	shalt  }
0x5a: {  	_ =	shalt  }
0x5b: {  	_ =	shalt  }
0x5c: {  	_ =	shalt  }
0x5d: {  	_ =	shalt  }
0x5e: {  	_ =	shalt  }
0x5f: {  	_ =	shalt  }
0x60: {  	_ =	shalt  }
0x61: {  	_ =	shalt  }
0x62: {  	_ =	shalt  }
0x63: {  	_ =	shalt  }
0x64: {  	_ =	shalt  }
0x65: {  	_ =	shalt  }
0x66: {  	_ =	shalt  }
0x67: {  	_ =	shalt  }
0x68: {  	_ =	shalt  }
0x69: {  	_ =	shalt  }
0x6a: {  	_ =	shalt  }
0x6b: {  	_ =	shalt  }
0x6c: {  	_ =	shalt  }
0x6d: {  	_ =	shalt  }
0x6e: {  	_ =	shalt  }
0x6f: {  	_ =	shalt  }
0x70: {  	_ =	shalt  }
0x71: {  	_ =	shalt  }
0x72: {  	_ =	shalt  }
0x73: {  	_ =	shalt  }
0x74: {  	_ =	shalt  }
0x75: {  	_ =	shalt  }
0x76: {  	_ =	shalt  }
0x77: {  	_ =	shalt  }
0x78: {  	_ =	shalt  }
0x79: {  	_ =	shalt  }
0x7a: {  	_ =	shalt  }
0x7b: {  	_ =	shalt  }
0x7c: {  	_ =	shalt  }
0x7d: {  	_ =	shalt  }
0x7e: {  	_ =	shalt  }
0x7f: {  	_ =	shalt  }
0x80: {  	_ =	shalt  }
0x81: {  	_ =	shalt  }
0x82: {  	_ =	shalt  }
0x83: {  	_ =	shalt  }
0x84: {  	_ =	shalt  }
0x85: {  	_ =	shalt  }
0x86: {  	_ =	shalt  }
0x87: {  	_ =	shalt  }
.Lfunc_end0:
.L_simem_size_0:
called_computation_lowered:
.L_overlay_start_0:
0x88: {  	s2 =	sld [smem:$0x3FD9]  }
0x89: {  	s3 =	sld [smem:$0x3FFE];
	_ =	sdelay $0x1  }
0x8a: {  	s1 =	srdreg.scid  }
0x8b: {  	s0 =	sand.u32 $0x1, s1  }
0x8c: {  	s17 =	sshll.u32 s0, $0xA;
	s2 =	sadd.s32 s3, s2  }
0x8d: {  	s2 =	sadd.s32 s2, s17  }
0x8e: {  	[smem:$0x3FC7] =	sst s2  }
0x8f: {  	_ = 	snop  }
0x90: {  	s2 =	sld [smem:$0x3FC9];
	(tm) =	ssettm $0x1  }
0x91: {  	s18 =	sld [smem:$0x3FFB];
	_ =	sdelay $0x3  }
0x92: {  	_ =	strace s18  }
0x93: {  	s3 =	sld [smem:$0x3FFC];
	_ =	sdelay $0x3  }
0x94: {  	_ =	strace s3  }
0x95: {  	s3 =	sld [smem:$0x3FFD];
	_ =	sdelay $0x3  }
0x96: {  	_ =	strace s3  }
0x97: {  	_ =	strace $0x8FFFFFFF  }
0x98: {  	s19 =	sld [smem:$0x3FDB];
	_ =	sdelay $0x1  }
0x99: {  	s4 =	simm.s32 $_scs_section_size  }
0x9a: {  	s5 =	simm.s32 $_size__tile_overlayer_lowered;
	s6 =	simm.s32 $_tile_overlayer_lowered  }
0x9b: {  	s22 =	simm.s32 $0x1BFF;
	s21 =	sshll.u32 s6, $0x1;
	s3 =	sadd.s32 s4, s19  }
0x9c: {  	s7 =	simm.s32 $0x0;
	s20 =	sshll.u32 s5, $0x1;
	s5 =	sadd.s32 s21, s3  }
0x9d: {  	[timem:s7], [sflag:s22] =	dma.local [hbm:s5], s20  }
0x9e: {  	_ =	swait.ge [sflag:s22], s20  }
0x9f: {  	s4 =	ssub.s32 $0x0, s20;
	[sflag:s22] =	ssyncset.done $0x0  }
0xa0: {  	[sflag:s22] =	ssyncadd.s32 s4;
	_ =	sdelay $0x1  }
0xa1: {  	s23 =	simm.s32 $0x1B8B  }
0xa2: {  	_ =	swait.ge [sflag:s23], $0x1  }
0xa3: {  	[sflag:s23] =	ssyncset.done $0x0  }
0xa4: {  	s25 =	simm.s32 $0x1B8E;
	s24 =	sld [smem:$0x3FFE];
	[sflag:s23] =	ssyncadd.s32 $0xFFFFFFFF  }
0xa5: {  	s26 =	simm.s32 $execute0_lowered;
	[smem:$0x3FD2] =	sst s25  }
0xa6: {  	s5 =	sshll.u32 s26, $0x1;
	_ =	strace $0x80000046;
	[dreg:$0x1] =	wrdreg $0xFFFFFFFF  }
0xa7: {  	s28 =	simm.s32 $_size_execute0_lowered;
	s3 =	sadd.s32 s3, s5;
	[dreg:$0x0] =	wrdreg $0x0  }
0xa8: {  	s5 =	sshll.u32 s28, $0x1;
	[dreg:$0x2] =	wrdreg s3  }
0xa9: {  	[dreg:$0x3] =	wrdreg s5  }
0xaa: {  	[dreg:$0x4] =	wrdreg $0xC0  }
0xab: {  	_ =	task [dreg:s7], $0x5FFFF  }
0xac: {  	[dreg:$0x1] =	wrdreg $0xFFFFFFFF  }
0xad: {  	[dreg:$0x0] =	wrdreg $0x60  }
0xae: {  	[dreg:$0x2] =	wrdreg s2  }
0xaf: {  	[dreg:$0x3] =	wrdreg s24  }
0xb0: {  	[dreg:$0x4] =	wrdreg $0x1B3000  }
0xb1: {  	[dreg:$0x5] =	wrdreg $0x9  }
0xb2: {  	_ =	task.clear_ibuf [dreg:s7], $0x6FFFF;
	_ =	strace $0x90000046  }
0xb3: {  	s29 =	simm.s32 $0x9;
	_ =	strace $0x80000048  }
0xb4: {  	_ =	swait.ge [sflag:s29], $0x1  }
0xb5: {  	[sflag:s29] =	ssyncadd.s32 $0xFFFFFFFF  }
0xb6: {  	_ =	strace $0x90000048  }
0xb7: {  	_ =	sfence  }
0xb8: {  	s30 =	sld [smem:$0x0];
	_ =	sdelay $0x2  }
0xb9: {  	s31 =	sshll.u32 s1, $0xD;
	s1 =	sshrl.u32 s1, $0x2  }
0xba: {  	s3 =	sand.u32 $0x4000, s31;
	s1 =	sadd.s32 s1, s30  }
0xbb: {  	s0 =	sor.u32 s3, s0;
	s1 =	sshll.u32 s1, $0x11  }
0xbc: {  	s0 =	sor.u32 s1, s0  }
0xbd: {  	s0 =	sadd.s32 $0x8F2B, s0  }
0xbe: {  	[sflag:s0] =	ssyncadd.remote.s32 $0x1  }
0xbf: {  	_ =	sfence.sel $0xFFFF  }
0xc0: {  	[dreg:$0x0] =	wrdreg $0xFFFFFFFF;
	(pc) =	sbr.abs _section_cstart, $3  }
0xc1: {  	[dreg:$0x1] =	wrdreg $0xFFFFFFFF  }
0xc2: {  	_ =	task.clear_ibuf [dreg:s7], $0x2FFFF;
	_ =	strace $0x9FFFFFFF  }
0xc3: {  	(tm) =	ssettm $0x7FFFFFFF  }
tec
execute0_lowered:
.L_overlay_start_1:
0x0: {  	(tag) =	ssettag $0x1  }
0x1: {  	s2 =	rddreg [dreg:$0x0]  }
0x2: {  	s3 =	rddreg [dreg:$0x1];
	s0 =	srdreg.scid  }
0x3: {  	s9 =	rddreg [dreg:$0x2];
	s20 =	stileid.u32;
	s1 =	simm.s32 $0x0  }
0x4: {  	s14 =	simm.s32 $0xC000;
	s15 =	simm.s32 $0x12000;
	s16 =	simm.s32 $0x1  }
0x5: {  	s17 =	simm.s32 $0x2;
	s18 =	simm.s32 $0x3;
	s19 =	simm.s32 $0x4  }
0x6: {  	s21 =	simm.s32 $0x400;
	s22 =	simm.s32 $0x18000;
	s23 =	simm.s32 $0x5  }
0x7: {  	s24 =	simm.s32 $0x18300;
	s4 =	sand.u32 $0x1, s0;
	s0 =	rddreg [dreg:$0x3]  }
0x8: {  	s25 =	simm.s32 $0x0;
	s6 =	smul.u32 $0x30000, s20;
	[smem:$0x7FF] =	sst s1  }
0x9: {  	s31 =	sshrl.u32 s20, $0x3;
	s10 =	sshll.u32 s20, $0x7;
	s5 =	smul.u32 $0x300000, s4  }
0xa: {  	p0 =	sne.s32 s20, $0x0;
	s20 =	simm.s32 $0x80;
	s7 =	smul.u32 $0x60, s4  }
0xb: {  	_ =	strace $0x80000047;
	s28 =	ssub.s32 $0x2, s4;
	s8 =	smul.u32 $0x6000, s31  }
0xc: {  	s10 =	sand.u32 $0x380, s10;
	s30 =	sshrl.u32 s28, $0x1;
	s5 =	sadd.s32 s6, s5  }
0xd: {  	s11 =	sadd.s32 s7, s3;
	s12 =	ssub.s32 s28, s30;
	s13 =	sshrl.u32 s8, $0x2  }
.Ltmp0:
0xe: {  	s29 =	sshrl.u32 s5, $0x3;
	s13 =	sadd.s32 s13, s9;
	(pc) =	sbr.rel .LBB2_1-.Ltmp0, $4  }
0xf: {  	s11 =	sadd.s32 $0x400, s11;
	s12 =	smax.u32 s12, $0x1;
	s2 =	sadd.s32 s2, s29  }
0x10: {  	s10 =	sadd.s32 s10, s13;
	s13 =	simm.s32 $0x6000;
	s3 =	sadd.s32 $0xC00, s2  }
0x11: {  	s4 =	sadd.s32 $0x1800, s2;
	s5 =	sadd.s32 $0x2400, s2;
	s6 =	sadd.s32 $0x3000, s2  }
0x12: {  	v0 =	vimm.f32 $0.0e+00;
	s7 =	sadd.s32 $0x3C00, s2;
	s8 =	sadd.s32 $0x4800, s2;
	s9 =	sadd.s32 $0x5400, s2  }
.LBB2_12:
0x13: {  	[spmem:s10] =	stream.strided.scatter [tilespmem:s22], [sflag:$0x5], $0x300, s21, s20, $0x38;
	[tilespmem:$0x1B600] =	vst v63  }
.Ltmp1:
0x14: {  	_ =	swait.ge [sflag:s23], $0x300;
	(pc) =	sbr.rel @!p0 .LBB2_13-.Ltmp1, $3  }
0x15: {  	[sflag:s23] =	ssyncset.done $0x0  }
0x16: {  	[sflag:s23] =	ssyncadd.s32 $0xFFFFFD00  }
0x17: {  	[bflag:$0x0] =	sbarrier.arrive $0xFFFF;
	_ =	sdelay $0x1  }
.LBB2_16:
0x18: {  	s25 =	sadd.s32 $0x1, s25  }
0x19: {  	p1 =	sne.s32 s25, s12  }
.Ltmp2:
0x1a: {  	_ = 	snop;
	(pc) =	sbr.rel @!p1 .LBB2_17-.Ltmp2, $1  }
0x1b: {  	_ =	sdelay $0x3  }
.LBB2_1:
0x1c: {  	[tilespmem:$0x18000] =	vst v0  }
0x1d: {  	[tilespmem:$0x18010] =	vst v0  }
0x1e: {  	[tilespmem:$0x18020] =	vst v0  }
0x1f: {  	[tilespmem:$0x18030] =	vst v0  }
0x20: {  	[tilespmem:$0x18040] =	vst v0  }
0x21: {  	[tilespmem:$0x18050] =	vst v0  }
0x22: {  	[tilespmem:$0x18060] =	vst v0  }
0x23: {  	[tilespmem:$0x18070] =	vst v0  }
0x24: {  	[tilespmem:$0x18080] =	vst v0  }
0x25: {  	[tilespmem:$0x18090] =	vst v0  }
0x26: {  	[tilespmem:$0x180A0] =	vst v0  }
0x27: {  	[tilespmem:$0x180B0] =	vst v0  }
0x28: {  	[tilespmem:$0x180C0] =	vst v0  }
0x29: {  	[tilespmem:$0x180D0] =	vst v0  }
0x2a: {  	[tilespmem:$0x180E0] =	vst v0  }
0x2b: {  	[tilespmem:$0x180F0] =	vst v0  }
0x2c: {  	[tilespmem:$0x18100] =	vst v0  }
0x2d: {  	[tilespmem:$0x18110] =	vst v0  }
0x2e: {  	[tilespmem:$0x18120] =	vst v0  }
0x2f: {  	[tilespmem:$0x18130] =	vst v0  }
0x30: {  	[tilespmem:$0x18140] =	vst v0  }
0x31: {  	[tilespmem:$0x18150] =	vst v0  }
0x32: {  	[tilespmem:$0x18160] =	vst v0  }
0x33: {  	[tilespmem:$0x18170] =	vst v0  }
0x34: {  	[tilespmem:$0x18180] =	vst v0  }
0x35: {  	[tilespmem:$0x18190] =	vst v0  }
0x36: {  	[tilespmem:$0x181A0] =	vst v0  }
0x37: {  	[tilespmem:$0x181B0] =	vst v0  }
0x38: {  	[tilespmem:$0x181C0] =	vst v0  }
0x39: {  	[tilespmem:$0x181D0] =	vst v0  }
0x3a: {  	[tilespmem:$0x181E0] =	vst v0  }
0x3b: {  	[tilespmem:$0x181F0] =	vst v0  }
0x3c: {  	[tilespmem:$0x18200] =	vst v0  }
0x3d: {  	[tilespmem:$0x18210] =	vst v0  }
0x3e: {  	[tilespmem:$0x18220] =	vst v0  }
0x3f: {  	[tilespmem:$0x18230] =	vst v0  }
0x40: {  	[tilespmem:$0x18240] =	vst v0  }
0x41: {  	[tilespmem:$0x18250] =	vst v0  }
0x42: {  	[tilespmem:$0x18260] =	vst v0  }
0x43: {  	[tilespmem:$0x18270] =	vst v0  }
0x44: {  	[tilespmem:$0x18280] =	vst v0  }
0x45: {  	[tilespmem:$0x18290] =	vst v0  }
0x46: {  	[tilespmem:$0x182A0] =	vst v0  }
0x47: {  	[tilespmem:$0x182B0] =	vst v0  }
0x48: {  	[tilespmem:$0x182C0] =	vst v0  }
0x49: {  	[tilespmem:$0x182D0] =	vst v0  }
0x4a: {  	[tilespmem:$0x182E0] =	vst v0  }
0x4b: {  	[tilespmem:$0x182F0] =	vst v0  }
0x4c: {  	[tilespmem:s1], [sflag:$0x1] =	stream.linear.gather [hbm4b:s2+s1], $0x6000, $0x38;
	[tilespmem:$0x1B600] =	vst v63  }
0x4d: {  	_ = 	snop  }
0x4e: {  	[tilespmem:s13], [sflag:$0x2] =	stream.linear.gather [hbm4b:s3+s1], $0x6000, $0x38;
	[tilespmem:$0x1B600] =	vst v63  }
0x4f: {  	p1 =	por $0x1, $0x1;
	s26 =	smov.u32 s5  }
0x50: {  	[tilespmem:s14], [sflag:$0x3] =	stream.linear.gather [hbm4b:s4+s1], $0x6000, $0x38;
	[tilespmem:$0x1B600] =	vst v63  }
.LBB2_2:
0x51: {  	s28 =	simm.s32 $0x0  }
0x52: {  	[tilespmem:s15], [sflag:$0x4] =	stream.linear.gather [hbm4b:s26+s28], $0x6000, $0x38;
	[tilespmem:$0x1B600] =	vst v63  }
0x53: {  	_ =	swait.ge [sflag:s16], $0x6000  }
0x54: {  	s31 =	sand.u32 $0x70, s28;
	s28 =	sand.u32 $0x1C00, s28;
	[sflag:s16] =	ssyncset.done $0x0  }
0x55: {  	s26 =	sor.u32 s31, s28;
	[sflag:s16] =	ssyncadd.s32 $0xFFFFA000  }
0x56: {  	v1 =	vld [tilespmem:s26+$0x4A00]  }
0x57: {  	v2 =	vld [tilespmem:s26+$0x4A80]  }
0x58: {  	v3 =	vld [tilespmem:s26+$0x4800]  }
0x59: {  	v4 =	vld [tilespmem:s26+$0x4880]  }
0x5a: {  	v5 =	vld [tilespmem:s26+$0x3200]  }
0x5b: {  	v6 =	vld [tilespmem:s26+$0x3280]  }
0x5c: {  	v7 =	vld [tilespmem:s26+$0x3000]  }
0x5d: {  	v8 =	vld [tilespmem:s26+$0x3080]  }
0x5e: {  	v9 =	vld [tilespmem:s26+$0x1A00]  }
0x5f: {  	v10 =	vld [tilespmem:s26+$0x1A80]  }
0x60: {  	v11 =	vld [tilespmem:s26+$0x1800]  }
0x61: {  	v12 =	vld [tilespmem:s26+$0x1880]  }
0x62: {  	v13 =	vld [tilespmem:s26+$0x200]  }
0x63: {  	v14 =	vld [tilespmem:s26+$0x280]  }
0x64: {  	v15 =	vld [tilespmem:s26+$0x0]  }
0x65: {  	v16 =	vld [tilespmem:s26+$0x80]  }
0x66: {  	v17 =	vld [tilespmem:s26+$0x100]  }
0x67: {  	v18 =	vld [tilespmem:s26+$0x180]  }
0x68: {  	v19 =	vld [tilespmem:s26+$0x300]  }
0x69: {  	v20 =	vld [tilespmem:s26+$0x380]  }
0x6a: {  	v21 =	vld [tilespmem:s26+$0x1900]  }
0x6b: {  	v22 =	vld [tilespmem:s26+$0x1980];
	v15 =	vadd.f32 $0.0e+00, v15;
	v16 =	vadd.f32 $0.0e+00, v16  }
0x6c: {  	v23 =	vld [tilespmem:s26+$0x1B00];
	v17 =	vadd.f32 $0.0e+00, v17;
	v18 =	vadd.f32 $0.0e+00, v18  }
0x6d: {  	v13 =	vadd.f32 v13, v15;
	v14 =	vadd.f32 v14, v16;
	v15 =	vld [tilespmem:s26+$0x1B80]  }
0x6e: {  	v16 =	vadd.f32 v19, v17;
	v17 =	vadd.f32 v20, v18;
	v18 =	vld [tilespmem:s26+$0x3100]  }
0x6f: {  	v11 =	vadd.f32 v11, v13;
	v12 =	vadd.f32 v12, v14;
	v13 =	vld [tilespmem:s26+$0x3180]  }
0x70: {  	v14 =	vadd.f32 v21, v16;
	v16 =	vadd.f32 v22, v17;
	v17 =	vld [tilespmem:s26+$0x3300]  }
0x71: {  	v9 =	vadd.f32 v9, v11;
	v10 =	vadd.f32 v10, v12;
	v11 =	vld [tilespmem:s26+$0x3380]  }
0x72: {  	v12 =	vadd.f32 v23, v14;
	v14 =	vadd.f32 v15, v16;
	v15 =	vld [tilespmem:s26+$0x4900]  }
0x73: {  	v7 =	vadd.f32 v7, v9;
	v8 =	vadd.f32 v8, v10;
	v9 =	vld [tilespmem:s26+$0x4980]  }
0x74: {  	v10 =	vadd.f32 v18, v12;
	v12 =	vadd.f32 v13, v14;
	v13 =	vld [tilespmem:s26+$0x4B00]  }
0x75: {  	v5 =	vadd.f32 v5, v7;
	v6 =	vadd.f32 v6, v8;
	v7 =	vld [tilespmem:s26+$0x4B80]  }
0x76: {  	v8 =	vadd.f32 v17, v10;
	v10 =	vadd.f32 v11, v12  }
0x77: {  	v3 =	vadd.f32 v3, v5;
	v4 =	vadd.f32 v4, v6  }
0x78: {  	v5 =	vadd.f32 v15, v8;
	v6 =	vadd.f32 v9, v10  }
0x79: {  	v1 =	vadd.f32 v1, v3;
	v2 =	vadd.f32 v2, v4  }
0x7a: {  	s26 =	simm.s32 $0x18000;
	v3 =	vadd.f32 v13, v5;
	v4 =	vadd.f32 v7, v6  }
0x7b: {  	v5 =	vld [tilespmem:s26+$0x0]  }
0x7c: {  	v1 =	vadd.f32 v2, v1;
	v2 =	vadd.f32 v4, v3;
	_ =	sdelay $0x1  }
0x7d: {  	v1 =	vadd.f32 v2, v1;
	_ =	sdelay $0x1  }
0x7e: {  	s29 =	simm.s32 $0x80;
	s28 =	simm.s32 $0x10;
	v1 =	vadd.f32 v5, v1  }
0x7f: {  	s30 =	sand.u32 $0x1C00, s29;
	s28 =	sand.u32 $0x70, s28  }
0x80: {  	s28 =	sor.u32 s28, s30;
	[tilespmem:s26+$0x0] =	vst v1  }
0x81: {  	v1 =	vld [tilespmem:s28+$0x4A00]  }
0x82: {  	v2 =	vld [tilespmem:s28+$0x4A80]  }
0x83: {  	v3 =	vld [tilespmem:s28+$0x4800]  }
0x84: {  	v4 =	vld [tilespmem:s28+$0x4880]  }
0x85: {  	v5 =	vld [tilespmem:s28+$0x3200]  }
0x86: {  	v6 =	vld [tilespmem:s28+$0x3280]  }
0x87: {  	v7 =	vld [tilespmem:s28+$0x3000]  }
0x88: {  	v8 =	vld [tilespmem:s28+$0x3080]  }
0x89: {  	v9 =	vld [tilespmem:s28+$0x1A00]  }
0x8a: {  	v10 =	vld [tilespmem:s28+$0x1A80]  }
0x8b: {  	v11 =	vld [tilespmem:s28+$0x1800]  }
0x8c: {  	v12 =	vld [tilespmem:s28+$0x1880]  }
0x8d: {  	v13 =	vld [tilespmem:s28+$0x200]  }
0x8e: {  	v14 =	vld [tilespmem:s28+$0x280]  }
0x8f: {  	v15 =	vld [tilespmem:s28+$0x0]  }
0x90: {  	s30 =	simm.s32 $0x20;
	v16 =	vld [tilespmem:s28+$0x80]  }
.LBB2_3:
0x91: {  	p2 =	sne.s32 s30, $0x2F0;
	v17 =	vld [tilespmem:s28+$0x100]  }
0x92: {  	v18 =	vld [tilespmem:s28+$0x180]  }
0x93: {  	v19 =	vld [tilespmem:s28+$0x300]  }
0x94: {  	v20 =	vld [tilespmem:s28+$0x380]  }
0x95: {  	v21 =	vld [tilespmem:s28+$0x1900]  }
0x96: {  	v15 =	vadd.f32 $0.0e+00, v15;
	v16 =	vadd.f32 $0.0e+00, v16;
	v22 =	vld [tilespmem:s28+$0x1980]  }
0x97: {  	v17 =	vadd.f32 $0.0e+00, v17;
	v18 =	vadd.f32 $0.0e+00, v18;
	v23 =	vld [tilespmem:s28+$0x1B00]  }
0x98: {  	v13 =	vadd.f32 v13, v15;
	v14 =	vadd.f32 v14, v16;
	v15 =	vld [tilespmem:s28+$0x1B80]  }
0x99: {  	v16 =	vadd.f32 v19, v17;
	v17 =	vadd.f32 v20, v18;
	v18 =	vld [tilespmem:s28+$0x3100]  }
0x9a: {  	v11 =	vadd.f32 v11, v13;
	v12 =	vadd.f32 v12, v14;
	v13 =	vld [tilespmem:s28+$0x3180]  }
0x9b: {  	v14 =	vadd.f32 v21, v16;
	v16 =	vadd.f32 v22, v17;
	v17 =	vld [tilespmem:s28+$0x3300]  }
0x9c: {  	v9 =	vadd.f32 v9, v11;
	v10 =	vadd.f32 v10, v12;
	v11 =	vld [tilespmem:s28+$0x3380]  }
0x9d: {  	v12 =	vadd.f32 v23, v14;
	v14 =	vadd.f32 v15, v16;
	v15 =	vld [tilespmem:s28+$0x4900]  }
0x9e: {  	v7 =	vadd.f32 v7, v9;
	v8 =	vadd.f32 v8, v10;
	v9 =	vld [tilespmem:s28+$0x4980]  }
0x9f: {  	v10 =	vadd.f32 v18, v12;
	v12 =	vadd.f32 v13, v14;
	v13 =	vld [tilespmem:s28+$0x4B00]  }
0xa0: {  	v5 =	vadd.f32 v5, v7;
	v6 =	vadd.f32 v6, v8;
	v7 =	vld [tilespmem:s28+$0x4B80]  }
0xa1: {  	v8 =	vadd.f32 v17, v10;
	v10 =	vadd.f32 v11, v12  }
0xa2: {  	v3 =	vadd.f32 v3, v5;
	v4 =	vadd.f32 v4, v6  }
0xa3: {  	v5 =	vadd.f32 v15, v8;
	v6 =	vadd.f32 v9, v10  }
0xa4: {  	v1 =	vadd.f32 v1, v3;
	v2 =	vadd.f32 v2, v4  }
0xa5: {  	s26 =	sadd.s32 $0x10, s26;
	v3 =	vadd.f32 v13, v5;
	v4 =	vadd.f32 v7, v6  }
0xa6: {  	v5 =	vld [tilespmem:s26+$0x0]  }
0xa7: {  	v1 =	vadd.f32 v2, v1;
	v2 =	vadd.f32 v4, v3;
	_ =	sdelay $0x1  }
0xa8: {  	v1 =	vadd.f32 v2, v1;
	_ =	sdelay $0x1  }
0xa9: {  	s29 =	sadd.s32 $0x80, s29;
	v1 =	vadd.f32 v5, v1  }
0xaa: {  	s31 =	sand.u32 $0x1C00, s29;
	s28 =	sand.u32 $0x70, s30  }
0xab: {  	s28 =	sor.u32 s28, s31;
	[tilespmem:s26+$0x0] =	vst v1  }
0xac: {  	v1 =	vld [tilespmem:s28+$0x4A00]  }
0xad: {  	v2 =	vld [tilespmem:s28+$0x4A80]  }
0xae: {  	v3 =	vld [tilespmem:s28+$0x4800]  }
0xaf: {  	v4 =	vld [tilespmem:s28+$0x4880]  }
0xb0: {  	v5 =	vld [tilespmem:s28+$0x3200]  }
0xb1: {  	v6 =	vld [tilespmem:s28+$0x3280]  }
0xb2: {  	v7 =	vld [tilespmem:s28+$0x3000]  }
0xb3: {  	v8 =	vld [tilespmem:s28+$0x3080]  }
0xb4: {  	v9 =	vld [tilespmem:s28+$0x1A00]  }
0xb5: {  	v10 =	vld [tilespmem:s28+$0x1A80]  }
0xb6: {  	v11 =	vld [tilespmem:s28+$0x1800]  }
.Ltmp3:
0xb7: {  	v12 =	vld [tilespmem:s28+$0x1880];
	(pc) =	sbr.rel @p2 .LBB2_3-.Ltmp3, $4  }
0xb8: {  	v13 =	vld [tilespmem:s28+$0x200]  }
0xb9: {  	v14 =	vld [tilespmem:s28+$0x280]  }
0xba: {  	v15 =	vld [tilespmem:s28+$0x0]  }
0xbb: {  	s30 =	sadd.s32 $0x10, s30;
	v16 =	vld [tilespmem:s28+$0x80]  }
0xbc: {  	v17 =	vld [tilespmem:s28+$0x100]  }
0xbd: {  	v18 =	vld [tilespmem:s28+$0x180]  }
0xbe: {  	v19 =	vld [tilespmem:s28+$0x300]  }
0xbf: {  	v20 =	vld [tilespmem:s28+$0x380]  }
0xc0: {  	v21 =	vld [tilespmem:s28+$0x1900]  }
0xc1: {  	v22 =	vld [tilespmem:s28+$0x1980];
	v15 =	vadd.f32 $0.0e+00, v15;
	v16 =	vadd.f32 $0.0e+00, v16  }
0xc2: {  	v23 =	vld [tilespmem:s28+$0x1B00];
	v17 =	vadd.f32 $0.0e+00, v17;
	v18 =	vadd.f32 $0.0e+00, v18  }
0xc3: {  	v13 =	vadd.f32 v13, v15;
	v15 =	vld [tilespmem:s28+$0x1B80];
	v14 =	vadd.f32 v14, v16  }
0xc4: {  	v16 =	vadd.f32 v19, v17;
	v17 =	vadd.f32 v20, v18;
	v18 =	vld [tilespmem:s28+$0x3100]  }
0xc5: {  	v11 =	vadd.f32 v11, v13;
	v13 =	vld [tilespmem:s28+$0x3180];
	v12 =	vadd.f32 v12, v14  }
0xc6: {  	v14 =	vadd.f32 v21, v16;
	v16 =	vadd.f32 v22, v17;
	v17 =	vld [tilespmem:s28+$0x3300]  }
0xc7: {  	v9 =	vadd.f32 v9, v11;
	v11 =	vld [tilespmem:s28+$0x3380];
	v10 =	vadd.f32 v10, v12  }
0xc8: {  	v12 =	vadd.f32 v23, v14;
	v14 =	vadd.f32 v15, v16;
	v15 =	vld [tilespmem:s28+$0x4900]  }
0xc9: {  	v7 =	vadd.f32 v7, v9;
	v9 =	vld [tilespmem:s28+$0x4980];
	v8 =	vadd.f32 v8, v10  }
0xca: {  	v10 =	vadd.f32 v18, v12;
	v12 =	vadd.f32 v13, v14;
	v13 =	vld [tilespmem:s28+$0x4B00]  }
0xcb: {  	v5 =	vadd.f32 v5, v7;
	v7 =	vld [tilespmem:s28+$0x4B80];
	v6 =	vadd.f32 v6, v8  }
0xcc: {  	v8 =	vadd.f32 v17, v10;
	v10 =	vadd.f32 v11, v12  }
0xcd: {  	v3 =	vadd.f32 v3, v5;
	v4 =	vadd.f32 v4, v6  }
0xce: {  	v5 =	vadd.f32 v15, v8;
	v6 =	vadd.f32 v9, v10  }
0xcf: {  	v1 =	vadd.f32 v1, v3;
	v2 =	vadd.f32 v2, v4  }
0xd0: {  	s26 =	sadd.s32 $0x10, s26;
	v3 =	vadd.f32 v13, v5;
	v4 =	vadd.f32 v7, v6  }
0xd1: {  	v5 =	vld [tilespmem:s26+$0x0]  }
0xd2: {  	v1 =	vadd.f32 v2, v1;
	v2 =	vadd.f32 v4, v3;
	_ =	sdelay $0x1  }
0xd3: {  	v1 =	vadd.f32 v2, v1;
	_ =	sdelay $0x1  }
0xd4: {  	v1 =	vadd.f32 v5, v1;
	_ =	sdelay $0x1  }
0xd5: {  	[tilespmem:s26+$0x0] =	vst v1;
	s26 =	simm.s32 @p1 $0x0  }
0xd6: {  	[tilespmem:s26], [sflag:$0x1] =	stream.linear.gather @p1 [hbm4b:s6+s26], $0x6000, $0x38;
	[tilespmem:$0x1B600] =	vst v63  }
0xd7: {  	s31 =	simm.s32 $0x0;
	_ =	swait.ge [sflag:s17], $0x6000  }
0xd8: {  	s28 =	sand.u32 $0x70, s31;
	s26 =	sand.u32 $0x1C00, s31;
	[sflag:s17] =	ssyncset.done $0x0  }
0xd9: {  	s26 =	sor.u32 s28, s26;
	[sflag:s17] =	ssyncadd.s32 $0xFFFFA000  }
0xda: {  	v1 =	vld [tilespmem:s26+$0xAA00]  }
0xdb: {  	v2 =	vld [tilespmem:s26+$0xAA80]  }
0xdc: {  	v3 =	vld [tilespmem:s26+$0xA800]  }
0xdd: {  	v4 =	vld [tilespmem:s26+$0xA880]  }
0xde: {  	v5 =	vld [tilespmem:s26+$0x9200]  }
0xdf: {  	v6 =	vld [tilespmem:s26+$0x9280]  }
0xe0: {  	v7 =	vld [tilespmem:s26+$0x9000]  }
0xe1: {  	v8 =	vld [tilespmem:s26+$0x9080]  }
0xe2: {  	v9 =	vld [tilespmem:s26+$0x7A00]  }
0xe3: {  	v10 =	vld [tilespmem:s26+$0x7A80]  }
0xe4: {  	v11 =	vld [tilespmem:s26+$0x7800]  }
0xe5: {  	v12 =	vld [tilespmem:s26+$0x7880]  }
0xe6: {  	v13 =	vld [tilespmem:s26+$0x6200]  }
0xe7: {  	v14 =	vld [tilespmem:s26+$0x6280]  }
0xe8: {  	v15 =	vld [tilespmem:s26+$0x6000]  }
0xe9: {  	v16 =	vld [tilespmem:s26+$0x6080]  }
0xea: {  	v17 =	vld [tilespmem:s26+$0x6100]  }
0xeb: {  	v18 =	vld [tilespmem:s26+$0x6180]  }
0xec: {  	v19 =	vld [tilespmem:s26+$0x6300]  }
0xed: {  	v60 =	vld [tilespmem:s26+$0x6380]  }
0xee: {  	v61 =	vld [tilespmem:s26+$0x7900]  }
0xef: {  	v62 =	vld [tilespmem:s26+$0x7980];
	v15 =	vadd.f32 $0.0e+00, v15;
	v16 =	vadd.f32 $0.0e+00, v16  }
0xf0: {  	v63 =	vld [tilespmem:s26+$0x7B00];
	v17 =	vadd.f32 $0.0e+00, v17;
	v18 =	vadd.f32 $0.0e+00, v18  }
0xf1: {  	v13 =	vadd.f32 v13, v15;
	v14 =	vadd.f32 v14, v16;
	v15 =	vld [tilespmem:s26+$0x7B80]  }
0xf2: {  	v16 =	vadd.f32 v19, v17;
	v17 =	vadd.f32 v60, v18;
	v18 =	vld [tilespmem:s26+$0x9100]  }
0xf3: {  	v11 =	vadd.f32 v11, v13;
	v12 =	vadd.f32 v12, v14;
	v13 =	vld [tilespmem:s26+$0x9180]  }
0xf4: {  	v14 =	vadd.f32 v61, v16;
	v16 =	vadd.f32 v62, v17;
	v17 =	vld [tilespmem:s26+$0x9300]  }
0xf5: {  	v9 =	vadd.f32 v9, v11;
	v10 =	vadd.f32 v10, v12;
	v11 =	vld [tilespmem:s26+$0x9380]  }
0xf6: {  	v12 =	vadd.f32 v63, v14;
	v14 =	vadd.f32 v15, v16;
	v15 =	vld [tilespmem:s26+$0xA900]  }
0xf7: {  	v7 =	vadd.f32 v7, v9;
	v8 =	vadd.f32 v8, v10;
	v9 =	vld [tilespmem:s26+$0xA980]  }
0xf8: {  	v10 =	vadd.f32 v18, v12;
	v12 =	vadd.f32 v13, v14;
	v13 =	vld [tilespmem:s26+$0xAB00]  }
0xf9: {  	v5 =	vadd.f32 v5, v7;
	v6 =	vadd.f32 v6, v8;
	v7 =	vld [tilespmem:s26+$0xAB80]  }
0xfa: {  	v8 =	vadd.f32 v17, v10;
	v10 =	vadd.f32 v11, v12  }
0xfb: {  	v3 =	vadd.f32 v3, v5;
	v4 =	vadd.f32 v4, v6  }
0xfc: {  	v5 =	vadd.f32 v15, v8;
	v6 =	vadd.f32 v9, v10  }
0xfd: {  	v1 =	vadd.f32 v1, v3;
	v2 =	vadd.f32 v2, v4  }
0xfe: {  	s26 =	simm.s32 $0x18000;
	v3 =	vadd.f32 v13, v5;
	v4 =	vadd.f32 v7, v6  }
0xff: {  	v5 =	vld [tilespmem:s26+$0x0]  }
0x100: {  	v1 =	vadd.f32 v2, v1;
	v2 =	vadd.f32 v4, v3;
	_ =	sdelay $0x1  }
0x101: {  	v1 =	vadd.f32 v2, v1;
	_ =	sdelay $0x1  }
0x102: {  	s29 =	simm.s32 $0x80;
	s28 =	simm.s32 $0x10;
	v1 =	vadd.f32 v5, v1  }
0x103: {  	s30 =	sand.u32 $0x1C00, s29;
	s28 =	sand.u32 $0x70, s28  }
0x104: {  	s28 =	sor.u32 s28, s30;
	[tilespmem:s26+$0x0] =	vst v1  }
0x105: {  	v1 =	vld [tilespmem:s28+$0xAA00]  }
0x106: {  	v2 =	vld [tilespmem:s28+$0xAA80]  }
0x107: {  	v3 =	vld [tilespmem:s28+$0xA800]  }
0x108: {  	v4 =	vld [tilespmem:s28+$0xA880]  }
0x109: {  	v5 =	vld [tilespmem:s28+$0x9200]  }
0x10a: {  	v6 =	vld [tilespmem:s28+$0x9280]  }
0x10b: {  	v7 =	vld [tilespmem:s28+$0x9000]  }
0x10c: {  	v8 =	vld [tilespmem:s28+$0x9080]  }
0x10d: {  	v9 =	vld [tilespmem:s28+$0x7A00]  }
0x10e: {  	v10 =	vld [tilespmem:s28+$0x7A80]  }
0x10f: {  	v11 =	vld [tilespmem:s28+$0x7800]  }
0x110: {  	v12 =	vld [tilespmem:s28+$0x7880]  }
0x111: {  	v13 =	vld [tilespmem:s28+$0x6200]  }
0x112: {  	v14 =	vld [tilespmem:s28+$0x6280]  }
0x113: {  	v15 =	vld [tilespmem:s28+$0x6000]  }
0x114: {  	s30 =	simm.s32 $0x20;
	v16 =	vld [tilespmem:s28+$0x6080]  }
.LBB2_5:
0x115: {  	p2 =	sne.s32 s30, $0x2F0;
	v17 =	vld [tilespmem:s28+$0x6100]  }
0x116: {  	v18 =	vld [tilespmem:s28+$0x6180]  }
0x117: {  	v19 =	vld [tilespmem:s28+$0x6300]  }
0x118: {  	v20 =	vld [tilespmem:s28+$0x6380]  }
0x119: {  	v21 =	vld [tilespmem:s28+$0x7900]  }
0x11a: {  	v15 =	vadd.f32 $0.0e+00, v15;
	v16 =	vadd.f32 $0.0e+00, v16;
	v22 =	vld [tilespmem:s28+$0x7980]  }
0x11b: {  	v17 =	vadd.f32 $0.0e+00, v17;
	v18 =	vadd.f32 $0.0e+00, v18;
	v23 =	vld [tilespmem:s28+$0x7B00]  }
0x11c: {  	v13 =	vadd.f32 v13, v15;
	v14 =	vadd.f32 v14, v16;
	v15 =	vld [tilespmem:s28+$0x7B80]  }
0x11d: {  	v16 =	vadd.f32 v19, v17;
	v17 =	vadd.f32 v20, v18;
	v18 =	vld [tilespmem:s28+$0x9100]  }
0x11e: {  	v11 =	vadd.f32 v11, v13;
	v12 =	vadd.f32 v12, v14;
	v13 =	vld [tilespmem:s28+$0x9180]  }
0x11f: {  	v14 =	vadd.f32 v21, v16;
	v16 =	vadd.f32 v22, v17;
	v17 =	vld [tilespmem:s28+$0x9300]  }
0x120: {  	v9 =	vadd.f32 v9, v11;
	v10 =	vadd.f32 v10, v12;
	v11 =	vld [tilespmem:s28+$0x9380]  }
0x121: {  	v12 =	vadd.f32 v23, v14;
	v14 =	vadd.f32 v15, v16;
	v15 =	vld [tilespmem:s28+$0xA900]  }
0x122: {  	v7 =	vadd.f32 v7, v9;
	v8 =	vadd.f32 v8, v10;
	v9 =	vld [tilespmem:s28+$0xA980]  }
0x123: {  	v10 =	vadd.f32 v18, v12;
	v12 =	vadd.f32 v13, v14;
	v13 =	vld [tilespmem:s28+$0xAB00]  }
0x124: {  	v5 =	vadd.f32 v5, v7;
	v6 =	vadd.f32 v6, v8;
	v7 =	vld [tilespmem:s28+$0xAB80]  }
0x125: {  	v8 =	vadd.f32 v17, v10;
	v10 =	vadd.f32 v11, v12  }
0x126: {  	v3 =	vadd.f32 v3, v5;
	v4 =	vadd.f32 v4, v6  }
0x127: {  	v5 =	vadd.f32 v15, v8;
	v6 =	vadd.f32 v9, v10  }
0x128: {  	v1 =	vadd.f32 v1, v3;
	v2 =	vadd.f32 v2, v4  }
0x129: {  	s26 =	sadd.s32 $0x10, s26;
	v3 =	vadd.f32 v13, v5;
	v4 =	vadd.f32 v7, v6  }
0x12a: {  	v5 =	vld [tilespmem:s26+$0x0]  }
0x12b: {  	v1 =	vadd.f32 v2, v1;
	v2 =	vadd.f32 v4, v3;
	_ =	sdelay $0x1  }
0x12c: {  	v1 =	vadd.f32 v2, v1;
	_ =	sdelay $0x1  }
0x12d: {  	s29 =	sadd.s32 $0x80, s29;
	v1 =	vadd.f32 v5, v1  }
0x12e: {  	s31 =	sand.u32 $0x1C00, s29;
	s28 =	sand.u32 $0x70, s30  }
0x12f: {  	s28 =	sor.u32 s28, s31;
	[tilespmem:s26+$0x0] =	vst v1  }
0x130: {  	v1 =	vld [tilespmem:s28+$0xAA00]  }
0x131: {  	v2 =	vld [tilespmem:s28+$0xAA80]  }
0x132: {  	v3 =	vld [tilespmem:s28+$0xA800]  }
0x133: {  	v4 =	vld [tilespmem:s28+$0xA880]  }
0x134: {  	v5 =	vld [tilespmem:s28+$0x9200]  }
0x135: {  	v6 =	vld [tilespmem:s28+$0x9280]  }
0x136: {  	v7 =	vld [tilespmem:s28+$0x9000]  }
0x137: {  	v8 =	vld [tilespmem:s28+$0x9080]  }
0x138: {  	v9 =	vld [tilespmem:s28+$0x7A00]  }
0x139: {  	v10 =	vld [tilespmem:s28+$0x7A80]  }
0x13a: {  	v11 =	vld [tilespmem:s28+$0x7800]  }
.Ltmp4:
0x13b: {  	v12 =	vld [tilespmem:s28+$0x7880];
	(pc) =	sbr.rel @p2 .LBB2_5-.Ltmp4, $4  }
0x13c: {  	v13 =	vld [tilespmem:s28+$0x6200]  }
0x13d: {  	v14 =	vld [tilespmem:s28+$0x6280]  }
0x13e: {  	v15 =	vld [tilespmem:s28+$0x6000]  }
0x13f: {  	s30 =	sadd.s32 $0x10, s30;
	v16 =	vld [tilespmem:s28+$0x6080]  }
0x140: {  	v17 =	vld [tilespmem:s28+$0x6100]  }
0x141: {  	v18 =	vld [tilespmem:s28+$0x6180]  }
0x142: {  	v19 =	vld [tilespmem:s28+$0x6300]  }
0x143: {  	v20 =	vld [tilespmem:s28+$0x6380]  }
0x144: {  	v21 =	vld [tilespmem:s28+$0x7900]  }
0x145: {  	v22 =	vld [tilespmem:s28+$0x7980];
	v15 =	vadd.f32 $0.0e+00, v15;
	v16 =	vadd.f32 $0.0e+00, v16  }
0x146: {  	v23 =	vld [tilespmem:s28+$0x7B00];
	v17 =	vadd.f32 $0.0e+00, v17;
	v18 =	vadd.f32 $0.0e+00, v18  }
0x147: {  	v13 =	vadd.f32 v13, v15;
	v15 =	vld [tilespmem:s28+$0x7B80];
	v14 =	vadd.f32 v14, v16  }
0x148: {  	v16 =	vadd.f32 v19, v17;
	v17 =	vadd.f32 v20, v18;
	v18 =	vld [tilespmem:s28+$0x9100]  }
0x149: {  	v11 =	vadd.f32 v11, v13;
	v13 =	vld [tilespmem:s28+$0x9180];
	v12 =	vadd.f32 v12, v14  }
0x14a: {  	v14 =	vadd.f32 v21, v16;
	v16 =	vadd.f32 v22, v17;
	v17 =	vld [tilespmem:s28+$0x9300]  }
0x14b: {  	v9 =	vadd.f32 v9, v11;
	v11 =	vld [tilespmem:s28+$0x9380];
	v10 =	vadd.f32 v10, v12  }
0x14c: {  	v12 =	vadd.f32 v23, v14;
	v14 =	vadd.f32 v15, v16;
	v15 =	vld [tilespmem:s28+$0xA900]  }
0x14d: {  	v7 =	vadd.f32 v7, v9;
	v9 =	vld [tilespmem:s28+$0xA980];
	v8 =	vadd.f32 v8, v10  }
0x14e: {  	v10 =	vadd.f32 v18, v12;
	v12 =	vadd.f32 v13, v14;
	v13 =	vld [tilespmem:s28+$0xAB00]  }
0x14f: {  	v5 =	vadd.f32 v5, v7;
	v7 =	vld [tilespmem:s28+$0xAB80];
	v6 =	vadd.f32 v6, v8  }
0x150: {  	v8 =	vadd.f32 v17, v10;
	v10 =	vadd.f32 v11, v12  }
0x151: {  	v3 =	vadd.f32 v3, v5;
	v4 =	vadd.f32 v4, v6  }
0x152: {  	v5 =	vadd.f32 v15, v8;
	v6 =	vadd.f32 v9, v10  }
0x153: {  	v1 =	vadd.f32 v1, v3;
	v2 =	vadd.f32 v2, v4  }
0x154: {  	s26 =	sadd.s32 $0x10, s26;
	v3 =	vadd.f32 v13, v5;
	v4 =	vadd.f32 v7, v6  }
0x155: {  	v5 =	vld [tilespmem:s26+$0x0]  }
0x156: {  	v1 =	vadd.f32 v2, v1;
	v2 =	vadd.f32 v4, v3;
	_ =	sdelay $0x1  }
0x157: {  	v1 =	vadd.f32 v2, v1;
	_ =	sdelay $0x1  }
0x158: {  	v1 =	vadd.f32 v5, v1;
	_ =	sdelay $0x1  }
0x159: {  	s28 =	simm.s32 @p1 $0x6000;
	[tilespmem:s26+$0x0] =	vst v1;
	s26 =	simm.s32 @p1 $0x0  }
0x15a: {  	[tilespmem:s28], [sflag:$0x2] =	stream.linear.gather @p1 [hbm4b:s7+s26], $0x6000, $0x38;
	[tilespmem:$0x1B600] =	vst v63  }
0x15b: {  	s26 =	simm.s32 $0x0  }
0x15c: {  	_ =	swait.ge [sflag:s18], $0x6000;
	s28 =	sand.u32 $0x70, s26;
	s26 =	sand.u32 $0x1C00, s26  }
0x15d: {  	[sflag:s18] =	ssyncset.done $0x0;
	s26 =	sor.u32 s28, s26  }
0x15e: {  	[sflag:s18] =	ssyncadd.s32 $0xFFFFA000;
	s28 =	sadd.s32 $0xF000, s26  }
0x15f: {  	v1 =	vld [tilespmem:s28+$0x1A00]  }
0x160: {  	v2 =	vld [tilespmem:s28+$0x1A80]  }
0x161: {  	v3 =	vld [tilespmem:s26+$0x10800]  }
0x162: {  	v4 =	vld [tilespmem:s28+$0x1880]  }
0x163: {  	v5 =	vld [tilespmem:s26+$0xF200]  }
0x164: {  	v6 =	vld [tilespmem:s26+$0xF280]  }
0x165: {  	v7 =	vld [tilespmem:s26+$0xF000]  }
0x166: {  	v8 =	vld [tilespmem:s26+$0xF080]  }
0x167: {  	v9 =	vld [tilespmem:s26+$0xDA00]  }
0x168: {  	v10 =	vld [tilespmem:s26+$0xDA80]  }
0x169: {  	v11 =	vld [tilespmem:s26+$0xD800]  }
0x16a: {  	v12 =	vld [tilespmem:s26+$0xD880]  }
0x16b: {  	v13 =	vld [tilespmem:s26+$0xC200]  }
0x16c: {  	v14 =	vld [tilespmem:s26+$0xC280]  }
0x16d: {  	v15 =	vld [tilespmem:s26+$0xC000]  }
0x16e: {  	v16 =	vld [tilespmem:s26+$0xC080]  }
0x16f: {  	v17 =	vld [tilespmem:s26+$0xC100]  }
0x170: {  	v18 =	vld [tilespmem:s26+$0xC180]  }
0x171: {  	v19 =	vld [tilespmem:s26+$0xC300]  }
0x172: {  	v60 =	vld [tilespmem:s26+$0xC380]  }
0x173: {  	v61 =	vld [tilespmem:s26+$0xD900]  }
0x174: {  	v62 =	vld [tilespmem:s26+$0xD980];
	v15 =	vadd.f32 $0.0e+00, v15;
	v16 =	vadd.f32 $0.0e+00, v16  }
0x175: {  	v63 =	vld [tilespmem:s26+$0xDB00];
	v17 =	vadd.f32 $0.0e+00, v17;
	v18 =	vadd.f32 $0.0e+00, v18  }
0x176: {  	v13 =	vadd.f32 v13, v15;
	v14 =	vadd.f32 v14, v16;
	v15 =	vld [tilespmem:s26+$0xDB80]  }
0x177: {  	v16 =	vadd.f32 v19, v17;
	v17 =	vadd.f32 v60, v18;
	v18 =	vld [tilespmem:s26+$0xF100]  }
0x178: {  	v11 =	vadd.f32 v11, v13;
	v12 =	vadd.f32 v12, v14;
	v13 =	vld [tilespmem:s26+$0xF180]  }
0x179: {  	v14 =	vadd.f32 v61, v16;
	v16 =	vadd.f32 v62, v17;
	v17 =	vld [tilespmem:s26+$0xF300]  }
0x17a: {  	v9 =	vadd.f32 v9, v11;
	v10 =	vadd.f32 v10, v12;
	v11 =	vld [tilespmem:s26+$0xF380]  }
0x17b: {  	v12 =	vadd.f32 v63, v14;
	v14 =	vadd.f32 v15, v16;
	v15 =	vld [tilespmem:s28+$0x1900]  }
0x17c: {  	v7 =	vadd.f32 v7, v9;
	v8 =	vadd.f32 v8, v10;
	v9 =	vld [tilespmem:s28+$0x1980]  }
0x17d: {  	v10 =	vadd.f32 v18, v12;
	v12 =	vadd.f32 v13, v14;
	v13 =	vld [tilespmem:s28+$0x1B00]  }
0x17e: {  	v5 =	vadd.f32 v5, v7;
	v6 =	vadd.f32 v6, v8;
	v7 =	vld [tilespmem:s28+$0x1B80]  }
0x17f: {  	v8 =	vadd.f32 v17, v10;
	v10 =	vadd.f32 v11, v12  }
0x180: {  	v3 =	vadd.f32 v3, v5;
	v4 =	vadd.f32 v4, v6  }
0x181: {  	v5 =	vadd.f32 v15, v8;
	v6 =	vadd.f32 v9, v10  }
0x182: {  	v1 =	vadd.f32 v1, v3;
	v2 =	vadd.f32 v2, v4  }
0x183: {  	s26 =	simm.s32 $0x18000;
	v3 =	vadd.f32 v13, v5;
	v4 =	vadd.f32 v7, v6  }
0x184: {  	v5 =	vld [tilespmem:s26+$0x0]  }
0x185: {  	v1 =	vadd.f32 v2, v1;
	v2 =	vadd.f32 v4, v3;
	_ =	sdelay $0x1  }
0x186: {  	v1 =	vadd.f32 v2, v1  }
0x187: {  	s29 =	simm.s32 $0x10;
	s28 =	simm.s32 $0x80  }
0x188: {  	s29 =	sand.u32 $0x70, s29;
	s30 =	sand.u32 $0x1C00, s28;
	v1 =	vadd.f32 v5, v1  }
0x189: {  	s31 =	sor.u32 s29, s30  }
0x18a: {  	s29 =	sadd.s32 $0xF000, s31;
	[tilespmem:s26+$0x0] =	vst v1  }
0x18b: {  	v1 =	vld [tilespmem:s29+$0x1A00]  }
0x18c: {  	v2 =	vld [tilespmem:s29+$0x1A80]  }
0x18d: {  	v3 =	vld [tilespmem:s31+$0x10800]  }
0x18e: {  	v4 =	vld [tilespmem:s29+$0x1880]  }
0x18f: {  	v5 =	vld [tilespmem:s31+$0xF200]  }
0x190: {  	v6 =	vld [tilespmem:s31+$0xF280]  }
0x191: {  	v7 =	vld [tilespmem:s31+$0xF000]  }
0x192: {  	v8 =	vld [tilespmem:s31+$0xF080]  }
0x193: {  	v9 =	vld [tilespmem:s31+$0xDA00]  }
0x194: {  	v10 =	vld [tilespmem:s31+$0xDA80]  }
0x195: {  	v11 =	vld [tilespmem:s31+$0xD800]  }
0x196: {  	v12 =	vld [tilespmem:s31+$0xD880]  }
0x197: {  	v13 =	vld [tilespmem:s31+$0xC200]  }
0x198: {  	v14 =	vld [tilespmem:s31+$0xC280]  }
0x199: {  	v15 =	vld [tilespmem:s31+$0xC000]  }
0x19a: {  	s30 =	simm.s32 $0x20;
	v16 =	vld [tilespmem:s31+$0xC080]  }
.LBB2_7:
0x19b: {  	p2 =	sne.s32 s30, $0x2F0;
	v17 =	vld [tilespmem:s31+$0xC100]  }
0x19c: {  	v18 =	vld [tilespmem:s31+$0xC180]  }
0x19d: {  	v19 =	vld [tilespmem:s31+$0xC300]  }
0x19e: {  	v20 =	vld [tilespmem:s31+$0xC380]  }
0x19f: {  	v21 =	vld [tilespmem:s31+$0xD900]  }
0x1a0: {  	v15 =	vadd.f32 $0.0e+00, v15;
	v16 =	vadd.f32 $0.0e+00, v16;
	v22 =	vld [tilespmem:s31+$0xD980]  }
0x1a1: {  	v17 =	vadd.f32 $0.0e+00, v17;
	v18 =	vadd.f32 $0.0e+00, v18;
	v23 =	vld [tilespmem:s31+$0xDB00]  }
0x1a2: {  	v13 =	vadd.f32 v13, v15;
	v14 =	vadd.f32 v14, v16;
	v15 =	vld [tilespmem:s31+$0xDB80]  }
0x1a3: {  	v16 =	vadd.f32 v19, v17;
	v17 =	vadd.f32 v20, v18;
	v18 =	vld [tilespmem:s31+$0xF100]  }
0x1a4: {  	v11 =	vadd.f32 v11, v13;
	v12 =	vadd.f32 v12, v14;
	v13 =	vld [tilespmem:s31+$0xF180]  }
0x1a5: {  	v14 =	vadd.f32 v21, v16;
	v16 =	vadd.f32 v22, v17;
	v17 =	vld [tilespmem:s31+$0xF300]  }
0x1a6: {  	v9 =	vadd.f32 v9, v11;
	v10 =	vadd.f32 v10, v12;
	v11 =	vld [tilespmem:s31+$0xF380]  }
0x1a7: {  	v12 =	vadd.f32 v23, v14;
	v14 =	vadd.f32 v15, v16;
	v15 =	vld [tilespmem:s29+$0x1900]  }
0x1a8: {  	v7 =	vadd.f32 v7, v9;
	v8 =	vadd.f32 v8, v10;
	v9 =	vld [tilespmem:s29+$0x1980]  }
0x1a9: {  	v10 =	vadd.f32 v18, v12;
	v12 =	vadd.f32 v13, v14;
	v13 =	vld [tilespmem:s29+$0x1B00]  }
0x1aa: {  	v5 =	vadd.f32 v5, v7;
	v6 =	vadd.f32 v6, v8;
	v7 =	vld [tilespmem:s29+$0x1B80]  }
0x1ab: {  	v8 =	vadd.f32 v17, v10;
	v10 =	vadd.f32 v11, v12  }
0x1ac: {  	v3 =	vadd.f32 v3, v5;
	v4 =	vadd.f32 v4, v6  }
0x1ad: {  	v5 =	vadd.f32 v15, v8;
	v6 =	vadd.f32 v9, v10  }
0x1ae: {  	v1 =	vadd.f32 v1, v3;
	v2 =	vadd.f32 v2, v4  }
0x1af: {  	s26 =	sadd.s32 $0x10, s26;
	v3 =	vadd.f32 v13, v5;
	v4 =	vadd.f32 v7, v6  }
0x1b0: {  	v5 =	vld [tilespmem:s26+$0x0]  }
0x1b1: {  	v1 =	vadd.f32 v2, v1;
	v2 =	vadd.f32 v4, v3;
	_ =	sdelay $0x1  }
0x1b2: {  	v1 =	vadd.f32 v2, v1  }
0x1b3: {  	s28 =	sadd.s32 $0x80, s28  }
0x1b4: {  	s31 =	sand.u32 $0x1C00, s28;
	s29 =	sand.u32 $0x70, s30;
	v1 =	vadd.f32 v5, v1  }
0x1b5: {  	s31 =	sor.u32 s29, s31  }
0x1b6: {  	s29 =	sadd.s32 $0xF000, s31;
	[tilespmem:s26+$0x0] =	vst v1  }
0x1b7: {  	v1 =	vld [tilespmem:s29+$0x1A00]  }
0x1b8: {  	v2 =	vld [tilespmem:s29+$0x1A80]  }
0x1b9: {  	v3 =	vld [tilespmem:s31+$0x10800]  }
0x1ba: {  	v4 =	vld [tilespmem:s29+$0x1880]  }
0x1bb: {  	v5 =	vld [tilespmem:s31+$0xF200]  }
0x1bc: {  	v6 =	vld [tilespmem:s31+$0xF280]  }
0x1bd: {  	v7 =	vld [tilespmem:s31+$0xF000]  }
0x1be: {  	v8 =	vld [tilespmem:s31+$0xF080]  }
0x1bf: {  	v9 =	vld [tilespmem:s31+$0xDA00]  }
0x1c0: {  	v10 =	vld [tilespmem:s31+$0xDA80]  }
0x1c1: {  	v11 =	vld [tilespmem:s31+$0xD800]  }
.Ltmp5:
0x1c2: {  	v12 =	vld [tilespmem:s31+$0xD880];
	(pc) =	sbr.rel @p2 .LBB2_7-.Ltmp5, $4  }
0x1c3: {  	v13 =	vld [tilespmem:s31+$0xC200]  }
0x1c4: {  	v14 =	vld [tilespmem:s31+$0xC280]  }
0x1c5: {  	v15 =	vld [tilespmem:s31+$0xC000]  }
0x1c6: {  	s30 =	sadd.s32 $0x10, s30;
	v16 =	vld [tilespmem:s31+$0xC080]  }
0x1c7: {  	v17 =	vld [tilespmem:s31+$0xC100]  }
0x1c8: {  	v18 =	vld [tilespmem:s31+$0xC180]  }
0x1c9: {  	v19 =	vld [tilespmem:s31+$0xC300]  }
0x1ca: {  	v20 =	vld [tilespmem:s31+$0xC380]  }
0x1cb: {  	v21 =	vld [tilespmem:s31+$0xD900]  }
0x1cc: {  	v22 =	vld [tilespmem:s31+$0xD980];
	v15 =	vadd.f32 $0.0e+00, v15;
	v16 =	vadd.f32 $0.0e+00, v16  }
0x1cd: {  	v23 =	vld [tilespmem:s31+$0xDB00];
	v17 =	vadd.f32 $0.0e+00, v17;
	v18 =	vadd.f32 $0.0e+00, v18  }
0x1ce: {  	v13 =	vadd.f32 v13, v15;
	v15 =	vld [tilespmem:s31+$0xDB80];
	v14 =	vadd.f32 v14, v16  }
0x1cf: {  	v16 =	vadd.f32 v19, v17;
	v17 =	vadd.f32 v20, v18;
	v18 =	vld [tilespmem:s31+$0xF100]  }
0x1d0: {  	v11 =	vadd.f32 v11, v13;
	v13 =	vld [tilespmem:s31+$0xF180];
	v12 =	vadd.f32 v12, v14  }
0x1d1: {  	v14 =	vadd.f32 v21, v16;
	v16 =	vadd.f32 v22, v17;
	v17 =	vld [tilespmem:s31+$0xF300]  }
0x1d2: {  	v9 =	vadd.f32 v9, v11;
	v11 =	vld [tilespmem:s31+$0xF380];
	v10 =	vadd.f32 v10, v12  }
0x1d3: {  	v12 =	vadd.f32 v23, v14;
	v14 =	vadd.f32 v15, v16;
	v15 =	vld [tilespmem:s29+$0x1900]  }
0x1d4: {  	v7 =	vadd.f32 v7, v9;
	v9 =	vld [tilespmem:s29+$0x1980];
	v8 =	vadd.f32 v8, v10  }
0x1d5: {  	v10 =	vadd.f32 v18, v12;
	v12 =	vadd.f32 v13, v14;
	v13 =	vld [tilespmem:s29+$0x1B00]  }
0x1d6: {  	v5 =	vadd.f32 v5, v7;
	v7 =	vld [tilespmem:s29+$0x1B80];
	v6 =	vadd.f32 v6, v8  }
0x1d7: {  	v8 =	vadd.f32 v17, v10;
	v10 =	vadd.f32 v11, v12  }
0x1d8: {  	v3 =	vadd.f32 v3, v5;
	v4 =	vadd.f32 v4, v6  }
0x1d9: {  	v5 =	vadd.f32 v15, v8;
	v6 =	vadd.f32 v9, v10  }
0x1da: {  	v1 =	vadd.f32 v1, v3;
	v2 =	vadd.f32 v2, v4  }
0x1db: {  	s26 =	sadd.s32 $0x10, s26;
	v3 =	vadd.f32 v13, v5;
	v4 =	vadd.f32 v7, v6  }
0x1dc: {  	v5 =	vld [tilespmem:s26+$0x0]  }
0x1dd: {  	v1 =	vadd.f32 v2, v1;
	v2 =	vadd.f32 v4, v3;
	_ =	sdelay $0x1  }
0x1de: {  	v1 =	vadd.f32 v2, v1;
	_ =	sdelay $0x1  }
0x1df: {  	v1 =	vadd.f32 v5, v1;
	_ =	sdelay $0x1  }
0x1e0: {  	s28 =	simm.s32 @p1 $0xC000;
	[tilespmem:s26+$0x0] =	vst v1;
	s26 =	simm.s32 @p1 $0x0  }
0x1e1: {  	[tilespmem:s28], [sflag:$0x3] =	stream.linear.gather @p1 [hbm4b:s8+s26], $0x6000, $0x38;
	[tilespmem:$0x1B600] =	vst v63  }
0x1e2: {  	s26 =	simm.s32 $0x0  }
0x1e3: {  	_ =	swait.ge [sflag:s19], $0x6000;
	s28 =	sand.u32 $0x70, s26;
	s26 =	sand.u32 $0x1C00, s26  }
0x1e4: {  	[sflag:s19] =	ssyncset.done $0x0;
	s26 =	sor.u32 s28, s26  }
0x1e5: {  	[sflag:s19] =	ssyncadd.s32 $0xFFFFA000;
	s28 =	sadd.s32 $0x15000, s26  }
0x1e6: {  	v1 =	vld [tilespmem:s28+$0x1A00]  }
0x1e7: {  	v2 =	vld [tilespmem:s28+$0x1A80]  }
0x1e8: {  	v3 =	vld [tilespmem:s26+$0x16800]  }
0x1e9: {  	v4 =	vld [tilespmem:s28+$0x1880]  }
0x1ea: {  	v5 =	vld [tilespmem:s28+$0x200]  }
0x1eb: {  	v6 =	vld [tilespmem:s28+$0x280]  }
0x1ec: {  	v7 =	vld [tilespmem:s26+$0x15000]  }
0x1ed: {  	v8 =	vld [tilespmem:s28+$0x80]  }
0x1ee: {  	v9 =	vld [tilespmem:s26+$0x13A00]  }
0x1ef: {  	v10 =	vld [tilespmem:s26+$0x13A80]  }
0x1f0: {  	v11 =	vld [tilespmem:s26+$0x13800]  }
0x1f1: {  	v12 =	vld [tilespmem:s26+$0x13880]  }
0x1f2: {  	v13 =	vld [tilespmem:s26+$0x12200]  }
0x1f3: {  	v14 =	vld [tilespmem:s26+$0x12280]  }
0x1f4: {  	v15 =	vld [tilespmem:s26+$0x12000]  }
0x1f5: {  	v16 =	vld [tilespmem:s26+$0x12080]  }
0x1f6: {  	v17 =	vld [tilespmem:s26+$0x12100]  }
0x1f7: {  	v18 =	vld [tilespmem:s26+$0x12180]  }
0x1f8: {  	v19 =	vld [tilespmem:s26+$0x12300]  }
0x1f9: {  	v60 =	vld [tilespmem:s26+$0x12380]  }
0x1fa: {  	v61 =	vld [tilespmem:s26+$0x13900]  }
0x1fb: {  	v62 =	vld [tilespmem:s26+$0x13980];
	v15 =	vadd.f32 $0.0e+00, v15;
	v16 =	vadd.f32 $0.0e+00, v16  }
0x1fc: {  	v63 =	vld [tilespmem:s26+$0x13B00];
	v17 =	vadd.f32 $0.0e+00, v17;
	v18 =	vadd.f32 $0.0e+00, v18  }
0x1fd: {  	v13 =	vadd.f32 v13, v15;
	v14 =	vadd.f32 v14, v16;
	v15 =	vld [tilespmem:s26+$0x13B80]  }
0x1fe: {  	v16 =	vadd.f32 v19, v17;
	v17 =	vadd.f32 v60, v18;
	v18 =	vld [tilespmem:s28+$0x100]  }
0x1ff: {  	v11 =	vadd.f32 v11, v13;
	v12 =	vadd.f32 v12, v14;
	v13 =	vld [tilespmem:s28+$0x180]  }
0x200: {  	v14 =	vadd.f32 v61, v16;
	v16 =	vadd.f32 v62, v17;
	v17 =	vld [tilespmem:s28+$0x300]  }
0x201: {  	v9 =	vadd.f32 v9, v11;
	v10 =	vadd.f32 v10, v12;
	v11 =	vld [tilespmem:s28+$0x380]  }
0x202: {  	v12 =	vadd.f32 v63, v14;
	v14 =	vadd.f32 v15, v16;
	v15 =	vld [tilespmem:s28+$0x1900]  }
0x203: {  	v7 =	vadd.f32 v7, v9;
	v8 =	vadd.f32 v8, v10;
	v9 =	vld [tilespmem:s28+$0x1980]  }
0x204: {  	v10 =	vadd.f32 v18, v12;
	v12 =	vadd.f32 v13, v14;
	v13 =	vld [tilespmem:s28+$0x1B00]  }
0x205: {  	v5 =	vadd.f32 v5, v7;
	v6 =	vadd.f32 v6, v8;
	v7 =	vld [tilespmem:s28+$0x1B80]  }
0x206: {  	v8 =	vadd.f32 v17, v10;
	v10 =	vadd.f32 v11, v12  }
0x207: {  	v3 =	vadd.f32 v3, v5;
	v4 =	vadd.f32 v4, v6  }
0x208: {  	v5 =	vadd.f32 v15, v8;
	v6 =	vadd.f32 v9, v10  }
0x209: {  	v1 =	vadd.f32 v1, v3;
	v2 =	vadd.f32 v2, v4  }
0x20a: {  	s26 =	simm.s32 $0x18000;
	v3 =	vadd.f32 v13, v5;
	v4 =	vadd.f32 v7, v6  }
0x20b: {  	v5 =	vld [tilespmem:s26+$0x0]  }
0x20c: {  	v1 =	vadd.f32 v2, v1;
	v2 =	vadd.f32 v4, v3;
	_ =	sdelay $0x1  }
0x20d: {  	v1 =	vadd.f32 v2, v1  }
0x20e: {  	s29 =	simm.s32 $0x10;
	s28 =	simm.s32 $0x80  }
0x20f: {  	s29 =	sand.u32 $0x70, s29;
	s30 =	sand.u32 $0x1C00, s28;
	v1 =	vadd.f32 v5, v1  }
0x210: {  	s31 =	sor.u32 s29, s30  }
0x211: {  	s29 =	sadd.s32 $0x15000, s31;
	[tilespmem:s26+$0x0] =	vst v1  }
0x212: {  	v1 =	vld [tilespmem:s29+$0x1A00]  }
0x213: {  	v2 =	vld [tilespmem:s29+$0x1A80]  }
0x214: {  	v3 =	vld [tilespmem:s31+$0x16800]  }
0x215: {  	v4 =	vld [tilespmem:s29+$0x1880]  }
0x216: {  	v5 =	vld [tilespmem:s29+$0x200]  }
0x217: {  	v6 =	vld [tilespmem:s29+$0x280]  }
0x218: {  	v7 =	vld [tilespmem:s31+$0x15000]  }
0x219: {  	v8 =	vld [tilespmem:s29+$0x80]  }
0x21a: {  	v9 =	vld [tilespmem:s31+$0x13A00]  }
0x21b: {  	v10 =	vld [tilespmem:s31+$0x13A80]  }
0x21c: {  	v11 =	vld [tilespmem:s31+$0x13800]  }
0x21d: {  	v12 =	vld [tilespmem:s31+$0x13880]  }
0x21e: {  	v13 =	vld [tilespmem:s31+$0x12200]  }
0x21f: {  	v14 =	vld [tilespmem:s31+$0x12280]  }
0x220: {  	v15 =	vld [tilespmem:s31+$0x12000]  }
0x221: {  	s30 =	simm.s32 $0x20;
	v16 =	vld [tilespmem:s31+$0x12080]  }
.LBB2_9:
0x222: {  	p2 =	sne.s32 s30, $0x2F0;
	v17 =	vld [tilespmem:s31+$0x12100]  }
0x223: {  	v18 =	vld [tilespmem:s31+$0x12180]  }
0x224: {  	v19 =	vld [tilespmem:s31+$0x12300]  }
0x225: {  	v20 =	vld [tilespmem:s31+$0x12380]  }
0x226: {  	v21 =	vld [tilespmem:s31+$0x13900]  }
0x227: {  	v15 =	vadd.f32 $0.0e+00, v15;
	v16 =	vadd.f32 $0.0e+00, v16;
	v22 =	vld [tilespmem:s31+$0x13980]  }
0x228: {  	v17 =	vadd.f32 $0.0e+00, v17;
	v18 =	vadd.f32 $0.0e+00, v18;
	v23 =	vld [tilespmem:s31+$0x13B00]  }
0x229: {  	v13 =	vadd.f32 v13, v15;
	v14 =	vadd.f32 v14, v16;
	v15 =	vld [tilespmem:s31+$0x13B80]  }
0x22a: {  	v16 =	vadd.f32 v19, v17;
	v17 =	vadd.f32 v20, v18;
	v18 =	vld [tilespmem:s29+$0x100]  }
0x22b: {  	v11 =	vadd.f32 v11, v13;
	v12 =	vadd.f32 v12, v14;
	v13 =	vld [tilespmem:s29+$0x180]  }
0x22c: {  	v14 =	vadd.f32 v21, v16;
	v16 =	vadd.f32 v22, v17;
	v17 =	vld [tilespmem:s29+$0x300]  }
0x22d: {  	v9 =	vadd.f32 v9, v11;
	v10 =	vadd.f32 v10, v12;
	v11 =	vld [tilespmem:s29+$0x380]  }
0x22e: {  	v12 =	vadd.f32 v23, v14;
	v14 =	vadd.f32 v15, v16;
	v15 =	vld [tilespmem:s29+$0x1900]  }
0x22f: {  	v7 =	vadd.f32 v7, v9;
	v8 =	vadd.f32 v8, v10;
	v9 =	vld [tilespmem:s29+$0x1980]  }
0x230: {  	v10 =	vadd.f32 v18, v12;
	v12 =	vadd.f32 v13, v14;
	v13 =	vld [tilespmem:s29+$0x1B00]  }
0x231: {  	v5 =	vadd.f32 v5, v7;
	v6 =	vadd.f32 v6, v8;
	v7 =	vld [tilespmem:s29+$0x1B80]  }
0x232: {  	v8 =	vadd.f32 v17, v10;
	v10 =	vadd.f32 v11, v12  }
0x233: {  	v3 =	vadd.f32 v3, v5;
	v4 =	vadd.f32 v4, v6  }
0x234: {  	v5 =	vadd.f32 v15, v8;
	v6 =	vadd.f32 v9, v10  }
0x235: {  	v1 =	vadd.f32 v1, v3;
	v2 =	vadd.f32 v2, v4  }
0x236: {  	s26 =	sadd.s32 $0x10, s26;
	v3 =	vadd.f32 v13, v5;
	v4 =	vadd.f32 v7, v6  }
0x237: {  	v5 =	vld [tilespmem:s26+$0x0]  }
0x238: {  	v1 =	vadd.f32 v2, v1;
	v2 =	vadd.f32 v4, v3;
	_ =	sdelay $0x1  }
0x239: {  	v1 =	vadd.f32 v2, v1  }
0x23a: {  	s28 =	sadd.s32 $0x80, s28  }
0x23b: {  	s31 =	sand.u32 $0x1C00, s28;
	s29 =	sand.u32 $0x70, s30;
	v1 =	vadd.f32 v5, v1  }
0x23c: {  	s31 =	sor.u32 s29, s31  }
0x23d: {  	s29 =	sadd.s32 $0x15000, s31;
	[tilespmem:s26+$0x0] =	vst v1  }
0x23e: {  	v1 =	vld [tilespmem:s29+$0x1A00]  }
0x23f: {  	v2 =	vld [tilespmem:s29+$0x1A80]  }
0x240: {  	v3 =	vld [tilespmem:s31+$0x16800]  }
0x241: {  	v4 =	vld [tilespmem:s29+$0x1880]  }
0x242: {  	v5 =	vld [tilespmem:s29+$0x200]  }
0x243: {  	v6 =	vld [tilespmem:s29+$0x280]  }
0x244: {  	v7 =	vld [tilespmem:s31+$0x15000]  }
0x245: {  	v8 =	vld [tilespmem:s29+$0x80]  }
0x246: {  	v9 =	vld [tilespmem:s31+$0x13A00]  }
0x247: {  	v10 =	vld [tilespmem:s31+$0x13A80]  }
0x248: {  	v11 =	vld [tilespmem:s31+$0x13800]  }
.Ltmp6:
0x249: {  	v12 =	vld [tilespmem:s31+$0x13880];
	(pc) =	sbr.rel @p2 .LBB2_9-.Ltmp6, $4  }
0x24a: {  	v13 =	vld [tilespmem:s31+$0x12200]  }
0x24b: {  	v14 =	vld [tilespmem:s31+$0x12280]  }
0x24c: {  	v15 =	vld [tilespmem:s31+$0x12000]  }
0x24d: {  	s30 =	sadd.s32 $0x10, s30;
	v16 =	vld [tilespmem:s31+$0x12080]  }
0x24e: {  	v17 =	vld [tilespmem:s31+$0x12100]  }
0x24f: {  	v18 =	vld [tilespmem:s31+$0x12180]  }
0x250: {  	v19 =	vld [tilespmem:s31+$0x12300]  }
0x251: {  	v20 =	vld [tilespmem:s31+$0x12380]  }
0x252: {  	v21 =	vld [tilespmem:s31+$0x13900]  }
0x253: {  	v22 =	vld [tilespmem:s31+$0x13980];
	v15 =	vadd.f32 $0.0e+00, v15;
	v16 =	vadd.f32 $0.0e+00, v16  }
0x254: {  	v23 =	vld [tilespmem:s31+$0x13B00];
	v17 =	vadd.f32 $0.0e+00, v17;
	v18 =	vadd.f32 $0.0e+00, v18  }
0x255: {  	v41 =	vld [tilespmem:s31+$0x13B80];
	v13 =	vadd.f32 v13, v15;
	v14 =	vadd.f32 v14, v16  }
0x256: {  	v44 =	vld [tilespmem:s29+$0x100];
	v42 =	vadd.f32 v19, v17;
	v43 =	vadd.f32 v20, v18  }
0x257: {  	v45 =	vld [tilespmem:s29+$0x180];
	v11 =	vadd.f32 v11, v13;
	v12 =	vadd.f32 v12, v14  }
0x258: {  	v48 =	vld [tilespmem:s29+$0x300];
	v46 =	vadd.f32 v21, v42;
	v47 =	vadd.f32 v22, v43  }
0x259: {  	v49 =	vld [tilespmem:s29+$0x380];
	v9 =	vadd.f32 v9, v11;
	v10 =	vadd.f32 v10, v12  }
0x25a: {  	v52 =	vld [tilespmem:s29+$0x1900];
	v50 =	vadd.f32 v23, v46;
	v51 =	vadd.f32 v41, v47  }
0x25b: {  	v53 =	vld [tilespmem:s29+$0x1980];
	v7 =	vadd.f32 v7, v9;
	v8 =	vadd.f32 v8, v10  }
0x25c: {  	v56 =	vld [tilespmem:s29+$0x1B00];
	v54 =	vadd.f32 v44, v50;
	v55 =	vadd.f32 v45, v51  }
0x25d: {  	v57 =	vld [tilespmem:s29+$0x1B80];
	v5 =	vadd.f32 v5, v7;
	v6 =	vadd.f32 v6, v8  }
0x25e: {  	v58 =	vadd.f32 v48, v54;
	v59 =	vadd.f32 v49, v55  }
0x25f: {  	v3 =	vadd.f32 v3, v5;
	v4 =	vadd.f32 v4, v6  }
0x260: {  	v60 =	vadd.f32 v52, v58;
	v61 =	vadd.f32 v53, v59  }
0x261: {  	v1 =	vadd.f32 v1, v3;
	v2 =	vadd.f32 v2, v4  }
0x262: {  	s26 =	sadd.s32 $0x10, s26;
	v3 =	vadd.f32 v56, v60;
	v62 =	vadd.f32 v57, v61  }
0x263: {  	v63 =	vld [tilespmem:s26+$0x0]  }
0x264: {  	v1 =	vadd.f32 v2, v1;
	v2 =	vadd.f32 v62, v3;
	_ =	sdelay $0x1  }
.Ltmp7:
0x265: {  	v1 =	vadd.f32 v2, v1;
	(pc) =	sbr.rel @!p1 .LBB2_12-.Ltmp7, $3  }
0x266: {  	_ = 	snop  }
0x267: {  	v1 =	vadd.f32 v63, v1;
	_ =	sdelay $0x1  }
0x268: {  	[tilespmem:s26+$0x0] =	vst v1  }
.Ltmp8:
0x269: {  	(pc) =	sbr.rel .LBB2_2-.Ltmp8, $2  }
0x26a: {  	_ =	sdelay $0x2  }
0x26b: {  	p1 =	por $0x0, $0x0;
	s26 =	smov.u32 s9  }
.LBB2_13:
0x26c: {  	[tilespmem:s24], [sflag:$0x5] =	stream.linear.gather [spmem:s10], $0x3000, $0x38;
	[tilespmem:$0x1B600] =	vst v63  }
0x26d: {  	s26 =	simm.s32 $0x0;
	_ =	swait.ge [sflag:s23], $0x3000  }
0x26e: {  	s28 =	sand.u32 $0x70, s26;
	s26 =	sand.u32 $0x1C00, s26;
	[sflag:s23] =	ssyncset.done $0x0  }
0x26f: {  	s26 =	sor.u32 s28, s26;
	[sflag:s23] =	ssyncadd.s32 $0xFFFFD000  }
0x270: {  	v1 =	vld [tilespmem:s26+$0x18380]  }
0x271: {  	v2 =	vld [tilespmem:s26+$0x18300];
	_ =	sdelay $0x1  }
0x272: {  	v3 =	vld [tilespmem:s26+$0x18400];
	_ =	sdelay $0x1  }
0x273: {  	v4 =	vld [tilespmem:s26+$0x18480]  }
0x274: {  	v1 =	vadd.f32 v1, v2  }
0x275: {  	v2 =	vld [tilespmem:s26+$0x18500]  }
0x276: {  	v1 =	vadd.f32 v3, v1  }
0x277: {  	v3 =	vld [tilespmem:s26+$0x18580]  }
0x278: {  	v1 =	vadd.f32 v4, v1  }
0x279: {  	v60 =	vld [tilespmem:s26+$0x18600]  }
0x27a: {  	v1 =	vadd.f32 v2, v1  }
0x27b: {  	v2 =	vld [tilespmem:s26+$0x18680]  }
0x27c: {  	v1 =	vadd.f32 v3, v1  }
0x27d: {  	v3 =	vld [tilespmem:s26+$0x19B00]  }
0x27e: {  	v1 =	vadd.f32 v60, v1  }
0x27f: {  	v61 =	vld [tilespmem:s26+$0x19B80]  }
0x280: {  	v1 =	vadd.f32 v2, v1  }
0x281: {  	v2 =	vld [tilespmem:s26+$0x19C00]  }
0x282: {  	v1 =	vadd.f32 v3, v1  }
0x283: {  	v3 =	vld [tilespmem:s26+$0x19C80]  }
0x284: {  	v1 =	vadd.f32 v61, v1  }
0x285: {  	v62 =	vld [tilespmem:s26+$0x19D00]  }
0x286: {  	v1 =	vadd.f32 v2, v1  }
0x287: {  	v2 =	vld [tilespmem:s26+$0x19D80]  }
0x288: {  	v1 =	vadd.f32 v3, v1  }
0x289: {  	v3 =	vld [tilespmem:s26+$0x19E00]  }
0x28a: {  	v1 =	vadd.f32 v62, v1  }
0x28b: {  	v63 =	vld [tilespmem:s26+$0x19E80]  }
0x28c: {  	v1 =	vadd.f32 v2, v1;
	_ =	sdelay $0x1  }
0x28d: {  	v1 =	vadd.f32 v3, v1;
	_ =	sdelay $0x1  }
0x28e: {  	v1 =	vadd.f32 v63, v1;
	_ =	sdelay $0x1  }
0x28f: {  	s29 =	simm.s32 $0x80;
	s28 =	simm.s32 $0x10;
	v1 =	vmul.f32 $2.441406250e-04, v1  }
0x290: {  	s30 =	sand.u32 $0x1C00, s29;
	s28 =	sand.u32 $0x70, s28;
	s26 =	simm.s32 $0x18000  }
0x291: {  	s28 =	sor.u32 s28, s30;
	s30 =	simm.s32 $0x20;
	[tilespmem:s26+$0x0] =	vst v1  }
.LBB2_14:
0x292: {  	p1 =	sne.s32 s30, $0x2F0;
	v1 =	vld [tilespmem:s28+$0x18380]  }
0x293: {  	v2 =	vld [tilespmem:s28+$0x18300];
	_ =	sdelay $0x1  }
0x294: {  	v3 =	vld [tilespmem:s28+$0x18400];
	_ =	sdelay $0x1  }
0x295: {  	v4 =	vld [tilespmem:s28+$0x18480]  }
0x296: {  	v1 =	vadd.f32 v1, v2  }
0x297: {  	v2 =	vld [tilespmem:s28+$0x18500]  }
0x298: {  	v1 =	vadd.f32 v3, v1  }
0x299: {  	v3 =	vld [tilespmem:s28+$0x18580]  }
0x29a: {  	v1 =	vadd.f32 v4, v1  }
0x29b: {  	v4 =	vld [tilespmem:s28+$0x18600]  }
0x29c: {  	v1 =	vadd.f32 v2, v1  }
0x29d: {  	v2 =	vld [tilespmem:s28+$0x18680]  }
0x29e: {  	v1 =	vadd.f32 v3, v1  }
0x29f: {  	v3 =	vld [tilespmem:s28+$0x19B00]  }
0x2a0: {  	v1 =	vadd.f32 v4, v1  }
0x2a1: {  	v4 =	vld [tilespmem:s28+$0x19B80]  }
0x2a2: {  	v1 =	vadd.f32 v2, v1  }
0x2a3: {  	v2 =	vld [tilespmem:s28+$0x19C00]  }
0x2a4: {  	v1 =	vadd.f32 v3, v1  }
0x2a5: {  	v3 =	vld [tilespmem:s28+$0x19C80]  }
0x2a6: {  	v1 =	vadd.f32 v4, v1  }
0x2a7: {  	v4 =	vld [tilespmem:s28+$0x19D00]  }
0x2a8: {  	v1 =	vadd.f32 v2, v1  }
0x2a9: {  	v2 =	vld [tilespmem:s28+$0x19D80]  }
0x2aa: {  	v1 =	vadd.f32 v3, v1  }
0x2ab: {  	v3 =	vld [tilespmem:s28+$0x19E00]  }
0x2ac: {  	v1 =	vadd.f32 v4, v1  }
0x2ad: {  	v4 =	vld [tilespmem:s28+$0x19E80]  }
0x2ae: {  	v1 =	vadd.f32 v2, v1;
	_ =	sdelay $0x1  }
0x2af: {  	v1 =	vadd.f32 v3, v1;
	_ =	sdelay $0x1  }
.Ltmp9:
0x2b0: {  	v1 =	vadd.f32 v4, v1;
	(pc) =	sbr.rel @p1 .LBB2_14-.Ltmp9, $4  }
0x2b1: {  	_ = 	snop  }
0x2b2: {  	s29 =	sadd.s32 $0x80, s29;
	v1 =	vmul.f32 $2.441406250e-04, v1  }
0x2b3: {  	s26 =	sadd.s32 $0x10, s26;
	s31 =	sand.u32 $0x1C00, s29;
	s28 =	sand.u32 $0x70, s30  }
0x2b4: {  	s30 =	sadd.s32 $0x10, s30;
	s28 =	sor.u32 s28, s31;
	[tilespmem:s26+$0x0] =	vst v1  }
0x2b5: {  	v1 =	vld [tilespmem:s28+$0x18380]  }
0x2b6: {  	v2 =	vld [tilespmem:s28+$0x18300];
	_ =	sdelay $0x1  }
0x2b7: {  	v3 =	vld [tilespmem:s28+$0x18400];
	_ =	sdelay $0x1  }
0x2b8: {  	v4 =	vld [tilespmem:s28+$0x18480]  }
0x2b9: {  	v1 =	vadd.f32 v1, v2  }
0x2ba: {  	v2 =	vld [tilespmem:s28+$0x18500]  }
0x2bb: {  	v1 =	vadd.f32 v3, v1  }
0x2bc: {  	v3 =	vld [tilespmem:s28+$0x18580]  }
0x2bd: {  	v1 =	vadd.f32 v4, v1  }
0x2be: {  	v60 =	vld [tilespmem:s28+$0x18600]  }
0x2bf: {  	v1 =	vadd.f32 v2, v1  }
0x2c0: {  	v2 =	vld [tilespmem:s28+$0x18680]  }
0x2c1: {  	v1 =	vadd.f32 v3, v1  }
0x2c2: {  	v3 =	vld [tilespmem:s28+$0x19B00]  }
0x2c3: {  	v1 =	vadd.f32 v60, v1  }
0x2c4: {  	v61 =	vld [tilespmem:s28+$0x19B80]  }
0x2c5: {  	v1 =	vadd.f32 v2, v1  }
0x2c6: {  	v2 =	vld [tilespmem:s28+$0x19C00]  }
0x2c7: {  	v1 =	vadd.f32 v3, v1  }
0x2c8: {  	v3 =	vld [tilespmem:s28+$0x19C80]  }
0x2c9: {  	v1 =	vadd.f32 v61, v1  }
0x2ca: {  	v62 =	vld [tilespmem:s28+$0x19D00]  }
0x2cb: {  	v1 =	vadd.f32 v2, v1  }
0x2cc: {  	v2 =	vld [tilespmem:s28+$0x19D80]  }
0x2cd: {  	v1 =	vadd.f32 v3, v1  }
0x2ce: {  	v3 =	vld [tilespmem:s28+$0x19E00]  }
0x2cf: {  	v1 =	vadd.f32 v62, v1  }
0x2d0: {  	v63 =	vld [tilespmem:s28+$0x19E80]  }
0x2d1: {  	v1 =	vadd.f32 v2, v1;
	_ =	sdelay $0x1  }
0x2d2: {  	v1 =	vadd.f32 v3, v1;
	_ =	sdelay $0x1  }
0x2d3: {  	v1 =	vadd.f32 v63, v1;
	_ =	sdelay $0x1  }
0x2d4: {  	v1 =	vmul.f32 $2.441406250e-04, v1  }
0x2d5: {  	s26 =	sadd.s32 $0x10, s26  }
.Ltmp10:
0x2d6: {  	[tilespmem:s26+$0x0] =	vst v1;
	(pc) =	sbr.rel .LBB2_16-.Ltmp10, $4  }
0x2d7: {  	[hbm4b:s11+s1] =	stream.linear.scatter [tilespmem:s22], [sflag:$0x5], $0x300, $0x38;
	[tilespmem:$0x1B600] =	vst v63  }
0x2d8: {  	_ =	swait.ge [sflag:s23], $0x300  }
0x2d9: {  	[sflag:s23] =	ssyncset.done $0x0  }
0x2da: {  	[sflag:s23] =	ssyncadd.s32 $0xFFFFFD00  }
.LBB2_17:
0x2db: {  	_ =	sfence.sel $0x180000  }
0x2dc: {  	[bflag:$0x0] =	sbarrier.arrive $0xFFFF  }
0x2dd: {  	_ =	strace $0x90000047  }
0x2de: {  	s0 =	sadd.s32 @!p0 $0x100000, s0;
	[bflag:$0x2] =	sbarrier.arrive $0xFFFF  }
0x2df: {  	[sflag:s0] =	ssyncadd.tile.s32 @!p0 $0x1;
	_ =	shalt  }
.Lfunc_end2:
_tile_overlayer_lowered:
.L_overlay_start_2:
0x2e0: {  	(tag) =	ssettag $0x2  }
0x2e1: {  	s0 =	rddreg [dreg:$0x0];
	s2 =	stileid.u32  }
0x2e2: {  	s1 =	rddreg [dreg:$0x1];
	p0 =	sne.s32 s2, $0x0  }
0x2e3: {  	s3 =	rddreg [dreg:$0x2];
	[bflag:$0x3] =	sbarrier.arrive $0xFFFF;
	s2 =	simm.s32 @!p0 $0x1C05  }
0x2e4: {  	[timem:s3], [sflag:s2] =	dma.local @!p0 [hbm:s0], s1  }
0x2e5: {  	s0 =	simm.s32 @!p0 $0x5  }
0x2e6: {  	_ =	swait.ge @!p0 [sflag:s0], s1  }
0x2e7: {  	s1 =	ssub.s32 @!p0 $0x0, s1;
	[sflag:s0] =	ssyncset.done @!p0 $0x0  }
0x2e8: {  	[sflag:s0] =	ssyncadd.s32 @!p0 s1  }
0x2e9: {  	[bflag:$0x3] =	sbarrier.arrive $0xFFFF  }
0x2ea: {  	_ =	shalt  }

</sc_bundles>
